<compile_context>
chip_gen: v7x
topology: tpu7x:2x2x1
jax: 0.10.2.dev20260603
libtpu: 0.0.44.dev20260713+nightly
codegen_flags: <defaults>
</compile_context>

<pallas_src>
import functools

import jax
import jax.numpy as jnp
from jax import lax
from jax.experimental import pallas as pl
from jax.experimental.pallas import tpu as pltpu
from jax.experimental.pallas import tpu_sc as plsc

_L = 16
_NW = 32


def kernel(x, img_idx, white_balance_parameter):
    n = x.shape[0]
    n_rows = white_balance_parameter.shape[0]
    x_t = x.T
    idx_1d = img_idx.astype(jnp.int32).reshape(n)
    tbl_cm = white_balance_parameter.T.reshape(3 * n_rows)

    per_w = n // _NW
    chunk = 4096
    n_chunks = per_w // chunk

    mesh = plsc.VectorSubcoreMesh(core_axis_name="c", subcore_axis_name="s")

    @functools.partial(
        pl.kernel,
        mesh=mesh,
        compiler_params=pltpu.CompilerParams(needs_layout_passes=False),
        out_type=jax.ShapeDtypeStruct((3, n), jnp.float32),
        scratch_types=[
            pltpu.VMEM((n_rows,), jnp.float32),
            pltpu.VMEM((n_rows,), jnp.float32),
            pltpu.VMEM((n_rows,), jnp.float32),
            pltpu.VMEM((chunk,), jnp.int32),
            pltpu.VMEM((chunk,), jnp.int32),
            pltpu.VMEM((8, chunk), jnp.float32),
            pltpu.VMEM((8, chunk), jnp.float32),
            pltpu.SemaphoreType.DMA,
            pltpu.SemaphoreType.DMA,
            pltpu.SemaphoreType.DMA,
            pltpu.SemaphoreType.DMA,
        ],
    )
    def wb(
        x_hbm, idx_hbm, tbl_hbm, out_hbm,
        t0_v, t1_v, t2_v, idx0_v, idx1_v, b0_v, b1_v,
        sem_in0, sem_in1, sem_out0, sem_out1,
    ):
        wid = lax.axis_index("s") * 2 + lax.axis_index("c")
        ray0 = wid * per_w
        tbls = (t0_v, t1_v, t2_v)
        idx_bufs = (idx0_v, idx1_v)
        bufs = (b0_v, b1_v)
        sems_in = (sem_in0, sem_in1)
        sems_out = (sem_out0, sem_out1)

        def in_copies(p, cidx):
            rbase = ray0 + cidx * chunk
            return [
                pltpu.make_async_copy(
                    idx_hbm.at[pl.ds(rbase, chunk)], idx_bufs[p], sems_in[p]
                ),
                pltpu.make_async_copy(
                    x_hbm.at[pl.ds(0, 3), pl.ds(rbase, chunk)],
                    bufs[p].at[pl.ds(0, 3)],
                    sems_in[p],
                ),
            ]

        def out_copies(p, cidx):
            rbase = ray0 + cidx * chunk
            return [
                pltpu.make_async_copy(
                    bufs[p].at[pl.ds(4, 3)],
                    out_hbm.at[pl.ds(0, 3), pl.ds(rbase, chunk)],
                    sems_out[p],
                )
            ]

        for cp in in_copies(0, 0):
            cp.start()
        tbl_copies = [
            pltpu.make_async_copy(
                tbl_hbm.at[pl.ds(c * n_rows, n_rows)], tbls[c], sem_out0
            )
            for c in range(3)
        ]
        for cp in tbl_copies:
            cp.start()
        for cp in tbl_copies:
            cp.wait()

        def do_chunk(p, cidx):
            @pl.when(cidx + 1 < n_chunks)
            def _():
                for cp in in_copies(1 - p, cidx + 1):
                    cp.start()

            @pl.when(cidx >= 2)
            def _():
                for cp in out_copies(p, cidx - 2):
                    cp.wait()

            for cp in in_copies(p, cidx):
                cp.wait()

            @plsc.parallel_loop(0, chunk // _L, unroll=8)
            def _(g):
                idxv = idx_bufs[p][pl.ds(_L * g, _L)]
                xs = [bufs[p][c, pl.ds(_L * g, _L)] for c in range(3)]
                tvs = [plsc.load_gather(tbls[c], [idxv]) for c in range(3)]
                for c in range(3):
                    bufs[p][4 + c, pl.ds(_L * g, _L)] = xs[c] * tvs[c]

            for cp in out_copies(p, cidx):
                cp.start()

        def loop_body(base_cidx, carry):
            do_chunk(0, base_cidx)
            do_chunk(1, base_cidx + 1)
            return carry

        lax.fori_loop(0, n_chunks // 2, lambda i, c: loop_body(2 * i, c), 0)

        for p, cidx in ((0, n_chunks - 2), (1, n_chunks - 1)):
            for cp in out_copies(p, cidx):
                cp.wait()

    out_t = wb(x_t, idx_1d, tbl_cm)
    return out_t.T

# --- scband reference (transcript-rebuilt; emitter-appended) ---
"""Pipeline reference for scband-white-balance-45268955300325 (READ-ONLY COPY).

The authoritative reference and input builder live on the scoring server;
editing this copy changes nothing except your own understanding.
"""

import jax, jax.numpy as jnp
import numpy as np

NUM_IMAGES = 1000
N_RAYS = 2097152

def setup_inputs(seed: int = 0) -> dict:
    key = jax.random.key(seed)
    k1, k2 = jax.random.split(key)
    x = jax.random.normal(k1, (N_RAYS, 3), dtype=jnp.float32)
    img_idx = jax.random.randint(k2, (N_RAYS, 1), 0, NUM_IMAGES, dtype=jnp.int64 if jax.config.read('jax_enable_x64') else jnp.int32)
    white_balance_parameter = jnp.ones((NUM_IMAGES, 3), dtype=jnp.float32)
    return {"x": x, "img_idx": img_idx, "white_balance_parameter": white_balance_parameter}

def reference(x, img_idx, white_balance_parameter):
    # map_type == 'white_balance': gather per-image 3-vector then broadcast-multiply
    param = jnp.take(white_balance_parameter, img_idx, axis=0)  # [N, 1, 3]
    param = jnp.squeeze(param, axis=1)  # [N, 3]
    return x * param

if __name__ == "__main__":
    import jax
    _d = setup_inputs()
    print(jax.jit(kernel)(*tuple(_d.values())))

</pallas_src>

<mosaic_0001>
#map = affine_map<(d0, d1) -> (0, 0)>
#map1 = affine_map<(d0, d1) -> (0)>
module attributes {stable_mosaic.version = 14 : i64} {
  func.func @wb(%arg0: i32, %arg1: i32, %arg2: memref<3x2097152xf32, #tpu.memory_space<hbm>>, %arg3: memref<2097152xi32, #tpu.memory_space<hbm>>, %arg4: memref<3000xf32, #tpu.memory_space<hbm>>, %arg5: memref<3x2097152xf32, #tpu.memory_space<hbm>>, %arg6: memref<1000xf32, #tpu.memory_space<vmem>>, %arg7: memref<1000xf32, #tpu.memory_space<vmem>>, %arg8: memref<1000xf32, #tpu.memory_space<vmem>>, %arg9: memref<4096xi32, #tpu.memory_space<vmem>>, %arg10: memref<4096xi32, #tpu.memory_space<vmem>>, %arg11: memref<8x4096xf32, #tpu.memory_space<vmem>>, %arg12: memref<8x4096xf32, #tpu.memory_space<vmem>>, %arg13: memref<!tpu.dma_semaphore, #tpu.memory_space<semaphore_mem>>, %arg14: memref<!tpu.dma_semaphore, #tpu.memory_space<semaphore_mem>>, %arg15: memref<!tpu.dma_semaphore, #tpu.memory_space<semaphore_mem>>, %arg16: memref<!tpu.dma_semaphore, #tpu.memory_space<semaphore_mem>>) attributes {dimension_semantics = [#tpu.dimension_semantics<core_parallel>, #tpu.dimension_semantics<subcore_parallel>], iteration_bounds = array<i64: 2, 16>, scalar_prefetch = 0 : i64, scratch_operands = 11 : i64, tpu.core_type = #tpu.core_type<sc_vector_subcore>, window_params = [{transform_indices = #map}, {transform_indices = #map1}, {transform_indices = #map1}, {transform_indices = #map}]} {
    %mul3A = arith.constant 2 : i32
    %mul3A_0 = arith.muli %arg1, %mul3A : i32
    %add3A = arith.addi %mul3A_0, %arg0 : i32
    %mul3A_1 = arith.constant 65536 : i32
    %mul3A_2 = arith.muli %add3A, %mul3A_1 : i32
    %add3A_3 = arith.constant 0 : i32
    %add3A_4 = arith.addi %mul3A_2, %add3A_3 : i32
    %dma_start3A = tpu.memref_slice %arg3[%add3A_4] : memref<2097152xi32, #tpu.memory_space<hbm>> -> memref<4096xi32, #tpu.memory_space<hbm>>
    %dma_start3A_5 = tpu.memref_slice %arg3[%add3A_4] : memref<2097152xi32, #tpu.memory_space<hbm>> -> memref<4096xi32, #tpu.memory_space<hbm>>
    tpu.enqueue_dma source(%dma_start3A_5 : memref<4096xi32, #tpu.memory_space<hbm>>) target(%arg9 : memref<4096xi32, #tpu.memory_space<vmem>>) target_semaphore(%arg13 : memref<!tpu.dma_semaphore, #tpu.memory_space<semaphore_mem>>)
    %dma_start3A_6 = arith.constant 0 : i32
    %dma_start3A_7 = arith.constant 0 : i32
    %dma_start3A_8 = tpu.memref_slice %arg11[%dma_start3A_6, %dma_start3A_7] : memref<8x4096xf32, #tpu.memory_space<vmem>> -> memref<3x4096xf32, #tpu.memory_space<vmem>>
    %dma_start3A_9 = arith.constant 0 : i32
    %dma_start3A_10 = tpu.memref_slice %arg2[%dma_start3A_9, %add3A_4] : memref<3x2097152xf32, #tpu.memory_space<hbm>> -> memref<3x4096xf32, #tpu.memory_space<hbm>>
    %dma_start3A_11 = arith.constant 0 : i32
    %dma_start3A_12 = arith.constant 0 : i32
    %dma_start3A_13 = tpu.memref_slice %arg11[%dma_start3A_11, %dma_start3A_12] : memref<8x4096xf32, #tpu.memory_space<vmem>> -> memref<3x4096xf32, #tpu.memory_space<vmem>>
    %dma_start3A_14 = arith.constant 0 : i32
    %dma_start3A_15 = tpu.memref_slice %arg2[%dma_start3A_14, %add3A_4] : memref<3x2097152xf32, #tpu.memory_space<hbm>> -> memref<3x4096xf32, #tpu.memory_space<hbm>>
    tpu.enqueue_dma source(%dma_start3A_15 : memref<3x4096xf32, #tpu.memory_space<hbm>>) target(%dma_start3A_13 : memref<3x4096xf32, #tpu.memory_space<vmem>>) target_semaphore(%arg13 : memref<!tpu.dma_semaphore, #tpu.memory_space<semaphore_mem>>)
    %dma_start3A_16 = arith.constant 0 : i32
    %dma_start3A_17 = tpu.memref_slice %arg4[%dma_start3A_16] : memref<3000xf32, #tpu.memory_space<hbm>> -> memref<1000xf32, #tpu.memory_space<hbm>>
    %dma_start3A_18 = arith.constant 0 : i32
    %dma_start3A_19 = tpu.memref_slice %arg4[%dma_start3A_18] : memref<3000xf32, #tpu.memory_space<hbm>> -> memref<1000xf32, #tpu.memory_space<hbm>>
    tpu.enqueue_dma source(%dma_start3A_19 : memref<1000xf32, #tpu.memory_space<hbm>>) target(%arg6 : memref<1000xf32, #tpu.memory_space<vmem>>) target_semaphore(%arg15 : memref<!tpu.dma_semaphore, #tpu.memory_space<semaphore_mem>>)
    %dma_start3A_20 = arith.constant 1000 : i32
    %dma_start3A_21 = tpu.memref_slice %arg4[%dma_start3A_20] : memref<3000xf32, #tpu.memory_space<hbm>> -> memref<1000xf32, #tpu.memory_space<hbm>>
    %dma_start3A_22 = arith.constant 1000 : i32
    %dma_start3A_23 = tpu.memref_slice %arg4[%dma_start3A_22] : memref<3000xf32, #tpu.memory_space<hbm>> -> memref<1000xf32, #tpu.memory_space<hbm>>
    tpu.enqueue_dma source(%dma_start3A_23 : memref<1000xf32, #tpu.memory_space<hbm>>) target(%arg7 : memref<1000xf32, #tpu.memory_space<vmem>>) target_semaphore(%arg15 : memref<!tpu.dma_semaphore, #tpu.memory_space<semaphore_mem>>)
    %dma_start3A_24 = arith.constant 2000 : i32
    %dma_start3A_25 = tpu.memref_slice %arg4[%dma_start3A_24] : memref<3000xf32, #tpu.memory_space<hbm>> -> memref<1000xf32, #tpu.memory_space<hbm>>
    %dma_start3A_26 = arith.constant 2000 : i32
    %dma_start3A_27 = tpu.memref_slice %arg4[%dma_start3A_26] : memref<3000xf32, #tpu.memory_space<hbm>> -> memref<1000xf32, #tpu.memory_space<hbm>>
    tpu.enqueue_dma source(%dma_start3A_27 : memref<1000xf32, #tpu.memory_space<hbm>>) target(%arg8 : memref<1000xf32, #tpu.memory_space<vmem>>) target_semaphore(%arg15 : memref<!tpu.dma_semaphore, #tpu.memory_space<semaphore_mem>>)
    %dma_wait3A = arith.constant 0 : i32
    %dma_wait3A_28 = tpu.memref_slice %arg4[%dma_wait3A] : memref<3000xf32, #tpu.memory_space<hbm>> -> memref<1000xf32, #tpu.memory_space<hbm>>
    %dma_wait3A_29 = arith.constant 0 : i32
    %dma_wait3A_30 = tpu.memref_slice %arg4[%dma_wait3A_29] : memref<3000xf32, #tpu.memory_space<hbm>> -> memref<1000xf32, #tpu.memory_space<hbm>>
    tpu.wait_dma2 semaphore(%arg15 : memref<!tpu.dma_semaphore, #tpu.memory_space<semaphore_mem>>) src(%dma_wait3A_30 : memref<1000xf32, #tpu.memory_space<hbm>>) dst(%arg6 : memref<1000xf32, #tpu.memory_space<vmem>>)
    %dma_wait3A_31 = arith.constant 1000 : i32
    %dma_wait3A_32 = tpu.memref_slice %arg4[%dma_wait3A_31] : memref<3000xf32, #tpu.memory_space<hbm>> -> memref<1000xf32, #tpu.memory_space<hbm>>
    %dma_wait3A_33 = arith.constant 1000 : i32
    %dma_wait3A_34 = tpu.memref_slice %arg4[%dma_wait3A_33] : memref<3000xf32, #tpu.memory_space<hbm>> -> memref<1000xf32, #tpu.memory_space<hbm>>
    tpu.wait_dma2 semaphore(%arg15 : memref<!tpu.dma_semaphore, #tpu.memory_space<semaphore_mem>>) src(%dma_wait3A_34 : memref<1000xf32, #tpu.memory_space<hbm>>) dst(%arg7 : memref<1000xf32, #tpu.memory_space<vmem>>)
    %dma_wait3A_35 = arith.constant 2000 : i32
    %dma_wait3A_36 = tpu.memref_slice %arg4[%dma_wait3A_35] : memref<3000xf32, #tpu.memory_space<hbm>> -> memref<1000xf32, #tpu.memory_space<hbm>>
    %dma_wait3A_37 = arith.constant 2000 : i32
    %dma_wait3A_38 = tpu.memref_slice %arg4[%dma_wait3A_37] : memref<3000xf32, #tpu.memory_space<hbm>> -> memref<1000xf32, #tpu.memory_space<hbm>>
    tpu.wait_dma2 semaphore(%arg15 : memref<!tpu.dma_semaphore, #tpu.memory_space<semaphore_mem>>) src(%dma_wait3A_38 : memref<1000xf32, #tpu.memory_space<hbm>>) dst(%arg8 : memref<1000xf32, #tpu.memory_space<vmem>>)
    %scan3A = arith.constant 0 : i32
    %scan3A_39 = arith.constant 0 : i32
    %scan3A_40 = arith.constant 8 : i32
    %scan3A_41 = arith.addi %scan3A_39, %scan3A_40 : i32
    %scan3A_42 = arith.constant 1 : i32
    scf.for %scan3A_68 = %scan3A_39 to %scan3A_41 step %scan3A_42  : i32 {
      %mul3A_69 = arith.constant 2 : i32
      %mul3A_70 = arith.muli %mul3A_69, %scan3A_68 : i32
      %add3A_71 = arith.constant 1 : i32
      %add3A_72 = arith.addi %mul3A_70, %add3A_71 : i32
      %lt3A = arith.constant 16 : i32
      %lt3A_73 = arith.cmpi slt, %add3A_72, %lt3A : i32
      %convert_element_type3A = arith.extui %lt3A_73 : i1 to i32
      %cond3A = arith.constant 0 : i32
      %cond3A_74 = arith.cmpi ne, %convert_element_type3A, %cond3A : i32
      scf.if %cond3A_74 {
        %add3A_154 = arith.constant 1 : i32
        %add3A_155 = arith.addi %mul3A_70, %add3A_154 : i32
        %mul3A_156 = arith.constant 4096 : i32
        %mul3A_157 = arith.muli %add3A_155, %mul3A_156 : i32
        %add3A_158 = arith.addi %mul3A_2, %mul3A_157 : i32
        %dma_start3A_159 = tpu.memref_slice %arg3[%add3A_158] : memref<2097152xi32, #tpu.memory_space<hbm>> -> memref<4096xi32, #tpu.memory_space<hbm>>
        %dma_start3A_160 = tpu.memref_slice %arg3[%add3A_158] : memref<2097152xi32, #tpu.memory_space<hbm>> -> memref<4096xi32, #tpu.memory_space<hbm>>
        tpu.enqueue_dma source(%dma_start3A_160 : memref<4096xi32, #tpu.memory_space<hbm>>) target(%arg10 : memref<4096xi32, #tpu.memory_space<vmem>>) target_semaphore(%arg14 : memref<!tpu.dma_semaphore, #tpu.memory_space<semaphore_mem>>)
        %dma_start3A_161 = arith.constant 0 : i32
        %dma_start3A_162 = arith.constant 0 : i32
        %dma_start3A_163 = tpu.memref_slice %arg12[%dma_start3A_161, %dma_start3A_162] : memref<8x4096xf32, #tpu.memory_space<vmem>> -> memref<3x4096xf32, #tpu.memory_space<vmem>>
        %dma_start3A_164 = arith.constant 0 : i32
        %dma_start3A_165 = tpu.memref_slice %arg2[%dma_start3A_164, %add3A_158] : memref<3x2097152xf32, #tpu.memory_space<hbm>> -> memref<3x4096xf32, #tpu.memory_space<hbm>>
        %dma_start3A_166 = arith.constant 0 : i32
        %dma_start3A_167 = arith.constant 0 : i32
        %dma_start3A_168 = tpu.memref_slice %arg12[%dma_start3A_166, %dma_start3A_167] : memref<8x4096xf32, #tpu.memory_space<vmem>> -> memref<3x4096xf32, #tpu.memory_space<vmem>>
        %dma_start3A_169 = arith.constant 0 : i32
        %dma_start3A_170 = tpu.memref_slice %arg2[%dma_start3A_169, %add3A_158] : memref<3x2097152xf32, #tpu.memory_space<hbm>> -> memref<3x4096xf32, #tpu.memory_space<hbm>>
        tpu.enqueue_dma source(%dma_start3A_170 : memref<3x4096xf32, #tpu.memory_space<hbm>>) target(%dma_start3A_168 : memref<3x4096xf32, #tpu.memory_space<vmem>>) target_semaphore(%arg14 : memref<!tpu.dma_semaphore, #tpu.memory_space<semaphore_mem>>)
      } else {
      }
      %ge3A = arith.constant 2 : i32
      %ge3A_75 = arith.cmpi sge, %mul3A_70, %ge3A : i32
      %convert_element_type3A_76 = arith.extui %ge3A_75 : i1 to i32
      %cond3A_77 = arith.constant 0 : i32
      %cond3A_78 = arith.cmpi ne, %convert_element_type3A_76, %cond3A_77 : i32
      scf.if %cond3A_78 {
        %sub3A = arith.constant 2 : i32
        %sub3A_154 = arith.subi %mul3A_70, %sub3A : i32
        %mul3A_155 = arith.constant 4096 : i32
        %mul3A_156 = arith.muli %sub3A_154, %mul3A_155 : i32
        %add3A_157 = arith.addi %mul3A_2, %mul3A_156 : i32
        %dma_wait3A_158 = arith.constant 4 : i32
        %dma_wait3A_159 = arith.constant 0 : i32
        %dma_wait3A_160 = tpu.memref_slice %arg11[%dma_wait3A_158, %dma_wait3A_159] : memref<8x4096xf32, #tpu.memory_space<vmem>> -> memref<3x4096xf32, #tpu.memory_space<vmem>>
        %dma_wait3A_161 = arith.constant 0 : i32
        %dma_wait3A_162 = tpu.memref_slice %arg5[%dma_wait3A_161, %add3A_157] : memref<3x2097152xf32, #tpu.memory_space<hbm>> -> memref<3x4096xf32, #tpu.memory_space<hbm>>
        %dma_wait3A_163 = arith.constant 0 : i32
        %dma_wait3A_164 = tpu.memref_slice %arg5[%dma_wait3A_163, %add3A_157] : memref<3x2097152xf32, #tpu.memory_space<hbm>> -> memref<3x4096xf32, #tpu.memory_space<hbm>>
        %dma_wait3A_165 = arith.constant 4 : i32
        %dma_wait3A_166 = arith.constant 0 : i32
        %dma_wait3A_167 = tpu.memref_slice %arg11[%dma_wait3A_165, %dma_wait3A_166] : memref<8x4096xf32, #tpu.memory_space<vmem>> -> memref<3x4096xf32, #tpu.memory_space<vmem>>
        tpu.wait_dma2 semaphore(%arg15 : memref<!tpu.dma_semaphore, #tpu.memory_space<semaphore_mem>>) src(%dma_wait3A_167 : memref<3x4096xf32, #tpu.memory_space<vmem>>) dst(%dma_wait3A_164 : memref<3x4096xf32, #tpu.memory_space<hbm>>)
      } else {
      }
      %mul3A_79 = arith.constant 4096 : i32
      %mul3A_80 = arith.muli %mul3A_70, %mul3A_79 : i32
      %add3A_81 = arith.addi %mul3A_2, %mul3A_80 : i32
      %dma_wait3A_82 = tpu.memref_slice %arg3[%add3A_81] : memref<2097152xi32, #tpu.memory_space<hbm>> -> memref<4096xi32, #tpu.memory_space<hbm>>
      %dma_wait3A_83 = tpu.memref_slice %arg3[%add3A_81] : memref<2097152xi32, #tpu.memory_space<hbm>> -> memref<4096xi32, #tpu.memory_space<hbm>>
      tpu.wait_dma2 semaphore(%arg13 : memref<!tpu.dma_semaphore, #tpu.memory_space<semaphore_mem>>) src(%dma_wait3A_83 : memref<4096xi32, #tpu.memory_space<hbm>>) dst(%arg9 : memref<4096xi32, #tpu.memory_space<vmem>>)
      %dma_wait3A_84 = arith.constant 0 : i32
      %dma_wait3A_85 = arith.constant 0 : i32
      %dma_wait3A_86 = tpu.memref_slice %arg11[%dma_wait3A_84, %dma_wait3A_85] : memref<8x4096xf32, #tpu.memory_space<vmem>> -> memref<3x4096xf32, #tpu.memory_space<vmem>>
      %dma_wait3A_87 = arith.constant 0 : i32
      %dma_wait3A_88 = tpu.memref_slice %arg2[%dma_wait3A_87, %add3A_81] : memref<3x2097152xf32, #tpu.memory_space<hbm>> -> memref<3x4096xf32, #tpu.memory_space<hbm>>
      %dma_wait3A_89 = arith.constant 0 : i32
      %dma_wait3A_90 = arith.constant 0 : i32
      %dma_wait3A_91 = tpu.memref_slice %arg11[%dma_wait3A_89, %dma_wait3A_90] : memref<8x4096xf32, #tpu.memory_space<vmem>> -> memref<3x4096xf32, #tpu.memory_space<vmem>>
      %dma_wait3A_92 = arith.constant 0 : i32
      %dma_wait3A_93 = tpu.memref_slice %arg2[%dma_wait3A_92, %add3A_81] : memref<3x2097152xf32, #tpu.memory_space<hbm>> -> memref<3x4096xf32, #tpu.memory_space<hbm>>
      tpu.wait_dma2 semaphore(%arg13 : memref<!tpu.dma_semaphore, #tpu.memory_space<semaphore_mem>>) src(%dma_wait3A_93 : memref<3x4096xf32, #tpu.memory_space<hbm>>) dst(%dma_wait3A_91 : memref<3x4096xf32, #tpu.memory_space<vmem>>)
      %parallel_loop3A = arith.constant 0 : i32
      %parallel_loop3A_94 = arith.constant 256 : i32
      %parallel_loop3A_95 = arith.constant 1 : i32
      scf.for %parallel_loop3A_154 = %parallel_loop3A to %parallel_loop3A_94 step %parallel_loop3A_95  : i32 {
        %parallel_loop3A_155 = arith.constant 16 : i32
        %parallel_loop3A_156 = arith.muli %parallel_loop3A_155, %parallel_loop3A_154 : i32
        %parallel_loop3A_157 = arith.index_cast %parallel_loop3A_156 : i32 to index
        %parallel_loop3A_158 = tpu.vector_load %arg9[%parallel_loop3A_157] {strides = array<i32>} : memref<4096xi32, #tpu.memory_space<vmem>>, vector<16xi32>,
        %parallel_loop3A_159 = arith.constant 16 : i32
        %parallel_loop3A_160 = arith.muli %parallel_loop3A_159, %parallel_loop3A_154 : i32
        %parallel_loop3A_161 = arith.constant 0 : i32
        %parallel_loop3A_162 = arith.index_cast %parallel_loop3A_161 : i32 to index
        %parallel_loop3A_163 = arith.index_cast %parallel_loop3A_160 : i32 to index
        %parallel_loop3A_164 = tpu.vector_load %arg11[%parallel_loop3A_162, %parallel_loop3A_163] {strides = array<i32>} : memref<8x4096xf32, #tpu.memory_space<vmem>>, vector<16xf32>,
        %parallel_loop3A_165 = arith.constant 16 : i32
        %parallel_loop3A_166 = arith.muli %parallel_loop3A_165, %parallel_loop3A_154 : i32
        %parallel_loop3A_167 = arith.constant 1 : i32
        %parallel_loop3A_168 = arith.index_cast %parallel_loop3A_167 : i32 to index
        %parallel_loop3A_169 = arith.index_cast %parallel_loop3A_166 : i32 to index
        %parallel_loop3A_170 = tpu.vector_load %arg11[%parallel_loop3A_168, %parallel_loop3A_169] {strides = array<i32>} : memref<8x4096xf32, #tpu.memory_space<vmem>>, vector<16xf32>,
        %parallel_loop3A_171 = arith.constant 16 : i32
        %parallel_loop3A_172 = arith.muli %parallel_loop3A_171, %parallel_loop3A_154 : i32
        %parallel_loop3A_173 = arith.constant 2 : i32
        %parallel_loop3A_174 = arith.index_cast %parallel_loop3A_173 : i32 to index
        %parallel_loop3A_175 = arith.index_cast %parallel_loop3A_172 : i32 to index
        %parallel_loop3A_176 = tpu.vector_load %arg11[%parallel_loop3A_174, %parallel_loop3A_175] {strides = array<i32>} : memref<8x4096xf32, #tpu.memory_space<vmem>>, vector<16xf32>,
        %parallel_loop3A_177 = tpu.vector_load_idx %arg6[%parallel_loop3A_158] : memref<1000xf32, #tpu.memory_space<vmem>>[vector<16xi32>], vector<16xf32>,
        %parallel_loop3A_178 = tpu.vector_load_idx %arg7[%parallel_loop3A_158] : memref<1000xf32, #tpu.memory_space<vmem>>[vector<16xi32>], vector<16xf32>,
        %parallel_loop3A_179 = tpu.vector_load_idx %arg8[%parallel_loop3A_158] : memref<1000xf32, #tpu.memory_space<vmem>>[vector<16xi32>], vector<16xf32>,
        %parallel_loop3A_180 = arith.mulf %parallel_loop3A_164, %parallel_loop3A_177 : vector<16xf32>
        %parallel_loop3A_181 = arith.constant 16 : i32
        %parallel_loop3A_182 = arith.muli %parallel_loop3A_181, %parallel_loop3A_154 : i32
        %parallel_loop3A_183 = arith.constant 4 : i32
        %parallel_loop3A_184 = arith.index_cast %parallel_loop3A_183 : i32 to index
        %parallel_loop3A_185 = arith.index_cast %parallel_loop3A_182 : i32 to index
        %parallel_loop3A_186 = tpu.vector_load %arg11[%parallel_loop3A_184, %parallel_loop3A_185] {strides = array<i32>} : memref<8x4096xf32, #tpu.memory_space<vmem>>, vector<16xf32>,
        tpu.vector_store %arg11[%parallel_loop3A_184, %parallel_loop3A_185], %parallel_loop3A_180 {strides = array<i32>} : memref<8x4096xf32, #tpu.memory_space<vmem>>, vector<16xf32>,
        %parallel_loop3A_187 = arith.mulf %parallel_loop3A_170, %parallel_loop3A_178 : vector<16xf32>
        %parallel_loop3A_188 = arith.constant 16 : i32
        %parallel_loop3A_189 = arith.muli %parallel_loop3A_188, %parallel_loop3A_154 : i32
        %parallel_loop3A_190 = arith.constant 5 : i32
        %parallel_loop3A_191 = arith.index_cast %parallel_loop3A_190 : i32 to index
        %parallel_loop3A_192 = arith.index_cast %parallel_loop3A_189 : i32 to index
        %parallel_loop3A_193 = tpu.vector_load %arg11[%parallel_loop3A_191, %parallel_loop3A_192] {strides = array<i32>} : memref<8x4096xf32, #tpu.memory_space<vmem>>, vector<16xf32>,
        tpu.vector_store %arg11[%parallel_loop3A_191, %parallel_loop3A_192], %parallel_loop3A_187 {strides = array<i32>} : memref<8x4096xf32, #tpu.memory_space<vmem>>, vector<16xf32>,
        %parallel_loop3A_194 = arith.mulf %parallel_loop3A_176, %parallel_loop3A_179 : vector<16xf32>
        %parallel_loop3A_195 = arith.constant 16 : i32
        %parallel_loop3A_196 = arith.muli %parallel_loop3A_195, %parallel_loop3A_154 : i32
        %parallel_loop3A_197 = arith.constant 6 : i32
        %parallel_loop3A_198 = arith.index_cast %parallel_loop3A_197 : i32 to index
        %parallel_loop3A_199 = arith.index_cast %parallel_loop3A_196 : i32 to index
        %parallel_loop3A_200 = tpu.vector_load %arg11[%parallel_loop3A_198, %parallel_loop3A_199] {strides = array<i32>} : memref<8x4096xf32, #tpu.memory_space<vmem>>, vector<16xf32>,
        tpu.vector_store %arg11[%parallel_loop3A_198, %parallel_loop3A_199], %parallel_loop3A_194 {strides = array<i32>} : memref<8x4096xf32, #tpu.memory_space<vmem>>, vector<16xf32>,
      } {sc.loop_unroll_factor = 8 : i64, sc.parallel_access}
      %mul3A_96 = arith.constant 4096 : i32
      %mul3A_97 = arith.muli %mul3A_70, %mul3A_96 : i32
      %add3A_98 = arith.addi %mul3A_2, %mul3A_97 : i32
      %dma_start3A_99 = arith.constant 4 : i32
      %dma_start3A_100 = arith.constant 0 : i32
      %dma_start3A_101 = tpu.memref_slice %arg11[%dma_start3A_99, %dma_start3A_100] : memref<8x4096xf32, #tpu.memory_space<vmem>> -> memref<3x4096xf32, #tpu.memory_space<vmem>>
      %dma_start3A_102 = arith.constant 0 : i32
      %dma_start3A_103 = tpu.memref_slice %arg5[%dma_start3A_102, %add3A_98] : memref<3x2097152xf32, #tpu.memory_space<hbm>> -> memref<3x4096xf32, #tpu.memory_space<hbm>>
      %dma_start3A_104 = arith.constant 0 : i32
      %dma_start3A_105 = tpu.memref_slice %arg5[%dma_start3A_104, %add3A_98] : memref<3x2097152xf32, #tpu.memory_space<hbm>> -> memref<3x4096xf32, #tpu.memory_space<hbm>>
      %dma_start3A_106 = arith.constant 4 : i32
      %dma_start3A_107 = arith.constant 0 : i32
      %dma_start3A_108 = tpu.memref_slice %arg11[%dma_start3A_106, %dma_start3A_107] : memref<8x4096xf32, #tpu.memory_space<vmem>> -> memref<3x4096xf32, #tpu.memory_space<vmem>>
      tpu.enqueue_dma source(%dma_start3A_108 : memref<3x4096xf32, #tpu.memory_space<vmem>>) target(%dma_start3A_105 : memref<3x4096xf32, #tpu.memory_space<hbm>>) target_semaphore(%arg15 : memref<!tpu.dma_semaphore, #tpu.memory_space<semaphore_mem>>)
      %add3A_109 = arith.constant 1 : i32
      %add3A_110 = arith.addi %mul3A_70, %add3A_109 : i32
      %add3A_111 = arith.constant 1 : i32
      %add3A_112 = arith.addi %add3A_110, %add3A_111 : i32
      %lt3A_113 = arith.constant 16 : i32
      %lt3A_114 = arith.cmpi slt, %add3A_112, %lt3A_113 : i32
      %convert_element_type3A_115 = arith.extui %lt3A_114 : i1 to i32
      %cond3A_116 = arith.constant 0 : i32
      %cond3A_117 = arith.cmpi ne, %convert_element_type3A_115, %cond3A_116 : i32
      scf.if %cond3A_117 {
        %add3A_154 = arith.constant 1 : i32
        %add3A_155 = arith.addi %add3A_110, %add3A_154 : i32
        %mul3A_156 = arith.constant 4096 : i32
        %mul3A_157 = arith.muli %add3A_155, %mul3A_156 : i32
        %add3A_158 = arith.addi %mul3A_2, %mul3A_157 : i32
        %dma_start3A_159 = tpu.memref_slice %arg3[%add3A_158] : memref<2097152xi32, #tpu.memory_space<hbm>> -> memref<4096xi32, #tpu.memory_space<hbm>>
        %dma_start3A_160 = tpu.memref_slice %arg3[%add3A_158] : memref<2097152xi32, #tpu.memory_space<hbm>> -> memref<4096xi32, #tpu.memory_space<hbm>>
        tpu.enqueue_dma source(%dma_start3A_160 : memref<4096xi32, #tpu.memory_space<hbm>>) target(%arg9 : memref<4096xi32, #tpu.memory_space<vmem>>) target_semaphore(%arg13 : memref<!tpu.dma_semaphore, #tpu.memory_space<semaphore_mem>>)
        %dma_start3A_161 = arith.constant 0 : i32
        %dma_start3A_162 = arith.constant 0 : i32
        %dma_start3A_163 = tpu.memref_slice %arg11[%dma_start3A_161, %dma_start3A_162] : memref<8x4096xf32, #tpu.memory_space<vmem>> -> memref<3x4096xf32, #tpu.memory_space<vmem>>
        %dma_start3A_164 = arith.constant 0 : i32
        %dma_start3A_165 = tpu.memref_slice %arg2[%dma_start3A_164, %add3A_158] : memref<3x2097152xf32, #tpu.memory_space<hbm>> -> memref<3x4096xf32, #tpu.memory_space<hbm>>
        %dma_start3A_166 = arith.constant 0 : i32
        %dma_start3A_167 = arith.constant 0 : i32
        %dma_start3A_168 = tpu.memref_slice %arg11[%dma_start3A_166, %dma_start3A_167] : memref<8x4096xf32, #tpu.memory_space<vmem>> -> memref<3x4096xf32, #tpu.memory_space<vmem>>
        %dma_start3A_169 = arith.constant 0 : i32
        %dma_start3A_170 = tpu.memref_slice %arg2[%dma_start3A_169, %add3A_158] : memref<3x2097152xf32, #tpu.memory_space<hbm>> -> memref<3x4096xf32, #tpu.memory_space<hbm>>
        tpu.enqueue_dma source(%dma_start3A_170 : memref<3x4096xf32, #tpu.memory_space<hbm>>) target(%dma_start3A_168 : memref<3x4096xf32, #tpu.memory_space<vmem>>) target_semaphore(%arg13 : memref<!tpu.dma_semaphore, #tpu.memory_space<semaphore_mem>>)
      } else {
      }
      %ge3A_118 = arith.constant 2 : i32
      %ge3A_119 = arith.cmpi sge, %add3A_110, %ge3A_118 : i32
      %convert_element_type3A_120 = arith.extui %ge3A_119 : i1 to i32
      %cond3A_121 = arith.constant 0 : i32
      %cond3A_122 = arith.cmpi ne, %convert_element_type3A_120, %cond3A_121 : i32
      scf.if %cond3A_122 {
        %sub3A = arith.constant 2 : i32
        %sub3A_154 = arith.subi %add3A_110, %sub3A : i32
        %mul3A_155 = arith.constant 4096 : i32
        %mul3A_156 = arith.muli %sub3A_154, %mul3A_155 : i32
        %add3A_157 = arith.addi %mul3A_2, %mul3A_156 : i32
        %dma_wait3A_158 = arith.constant 4 : i32
        %dma_wait3A_159 = arith.constant 0 : i32
        %dma_wait3A_160 = tpu.memref_slice %arg12[%dma_wait3A_158, %dma_wait3A_159] : memref<8x4096xf32, #tpu.memory_space<vmem>> -> memref<3x4096xf32, #tpu.memory_space<vmem>>
        %dma_wait3A_161 = arith.constant 0 : i32
        %dma_wait3A_162 = tpu.memref_slice %arg5[%dma_wait3A_161, %add3A_157] : memref<3x2097152xf32, #tpu.memory_space<hbm>> -> memref<3x4096xf32, #tpu.memory_space<hbm>>
        %dma_wait3A_163 = arith.constant 0 : i32
        %dma_wait3A_164 = tpu.memref_slice %arg5[%dma_wait3A_163, %add3A_157] : memref<3x2097152xf32, #tpu.memory_space<hbm>> -> memref<3x4096xf32, #tpu.memory_space<hbm>>
        %dma_wait3A_165 = arith.constant 4 : i32
        %dma_wait3A_166 = arith.constant 0 : i32
        %dma_wait3A_167 = tpu.memref_slice %arg12[%dma_wait3A_165, %dma_wait3A_166] : memref<8x4096xf32, #tpu.memory_space<vmem>> -> memref<3x4096xf32, #tpu.memory_space<vmem>>
        tpu.wait_dma2 semaphore(%arg16 : memref<!tpu.dma_semaphore, #tpu.memory_space<semaphore_mem>>) src(%dma_wait3A_167 : memref<3x4096xf32, #tpu.memory_space<vmem>>) dst(%dma_wait3A_164 : memref<3x4096xf32, #tpu.memory_space<hbm>>)
      } else {
      }
      %mul3A_123 = arith.constant 4096 : i32
      %mul3A_124 = arith.muli %add3A_110, %mul3A_123 : i32
      %add3A_125 = arith.addi %mul3A_2, %mul3A_124 : i32
      %dma_wait3A_126 = tpu.memref_slice %arg3[%add3A_125] : memref<2097152xi32, #tpu.memory_space<hbm>> -> memref<4096xi32, #tpu.memory_space<hbm>>
      %dma_wait3A_127 = tpu.memref_slice %arg3[%add3A_125] : memref<2097152xi32, #tpu.memory_space<hbm>> -> memref<4096xi32, #tpu.memory_space<hbm>>
      tpu.wait_dma2 semaphore(%arg14 : memref<!tpu.dma_semaphore, #tpu.memory_space<semaphore_mem>>) src(%dma_wait3A_127 : memref<4096xi32, #tpu.memory_space<hbm>>) dst(%arg10 : memref<4096xi32, #tpu.memory_space<vmem>>)
      %dma_wait3A_128 = arith.constant 0 : i32
      %dma_wait3A_129 = arith.constant 0 : i32
      %dma_wait3A_130 = tpu.memref_slice %arg12[%dma_wait3A_128, %dma_wait3A_129] : memref<8x4096xf32, #tpu.memory_space<vmem>> -> memref<3x4096xf32, #tpu.memory_space<vmem>>
      %dma_wait3A_131 = arith.constant 0 : i32
      %dma_wait3A_132 = tpu.memref_slice %arg2[%dma_wait3A_131, %add3A_125] : memref<3x2097152xf32, #tpu.memory_space<hbm>> -> memref<3x4096xf32, #tpu.memory_space<hbm>>
      %dma_wait3A_133 = arith.constant 0 : i32
      %dma_wait3A_134 = arith.constant 0 : i32
      %dma_wait3A_135 = tpu.memref_slice %arg12[%dma_wait3A_133, %dma_wait3A_134] : memref<8x4096xf32, #tpu.memory_space<vmem>> -> memref<3x4096xf32, #tpu.memory_space<vmem>>
      %dma_wait3A_136 = arith.constant 0 : i32
      %dma_wait3A_137 = tpu.memref_slice %arg2[%dma_wait3A_136, %add3A_125] : memref<3x2097152xf32, #tpu.memory_space<hbm>> -> memref<3x4096xf32, #tpu.memory_space<hbm>>
      tpu.wait_dma2 semaphore(%arg14 : memref<!tpu.dma_semaphore, #tpu.memory_space<semaphore_mem>>) src(%dma_wait3A_137 : memref<3x4096xf32, #tpu.memory_space<hbm>>) dst(%dma_wait3A_135 : memref<3x4096xf32, #tpu.memory_space<vmem>>)
      %parallel_loop3A_138 = arith.constant 0 : i32
      %parallel_loop3A_139 = arith.constant 256 : i32
      %parallel_loop3A_140 = arith.constant 1 : i32
      scf.for %parallel_loop3A_154 = %parallel_loop3A_138 to %parallel_loop3A_139 step %parallel_loop3A_140  : i32 {
        %parallel_loop3A_155 = arith.constant 16 : i32
        %parallel_loop3A_156 = arith.muli %parallel_loop3A_155, %parallel_loop3A_154 : i32
        %parallel_loop3A_157 = arith.index_cast %parallel_loop3A_156 : i32 to index
        %parallel_loop3A_158 = tpu.vector_load %arg10[%parallel_loop3A_157] {strides = array<i32>} : memref<4096xi32, #tpu.memory_space<vmem>>, vector<16xi32>,
        %parallel_loop3A_159 = arith.constant 16 : i32
        %parallel_loop3A_160 = arith.muli %parallel_loop3A_159, %parallel_loop3A_154 : i32
        %parallel_loop3A_161 = arith.constant 0 : i32
        %parallel_loop3A_162 = arith.index_cast %parallel_loop3A_161 : i32 to index
        %parallel_loop3A_163 = arith.index_cast %parallel_loop3A_160 : i32 to index
        %parallel_loop3A_164 = tpu.vector_load %arg12[%parallel_loop3A_162, %parallel_loop3A_163] {strides = array<i32>} : memref<8x4096xf32, #tpu.memory_space<vmem>>, vector<16xf32>,
        %parallel_loop3A_165 = arith.constant 16 : i32
        %parallel_loop3A_166 = arith.muli %parallel_loop3A_165, %parallel_loop3A_154 : i32
        %parallel_loop3A_167 = arith.constant 1 : i32
        %parallel_loop3A_168 = arith.index_cast %parallel_loop3A_167 : i32 to index
        %parallel_loop3A_169 = arith.index_cast %parallel_loop3A_166 : i32 to index
        %parallel_loop3A_170 = tpu.vector_load %arg12[%parallel_loop3A_168, %parallel_loop3A_169] {strides = array<i32>} : memref<8x4096xf32, #tpu.memory_space<vmem>>, vector<16xf32>,
        %parallel_loop3A_171 = arith.constant 16 : i32
        %parallel_loop3A_172 = arith.muli %parallel_loop3A_171, %parallel_loop3A_154 : i32
        %parallel_loop3A_173 = arith.constant 2 : i32
        %parallel_loop3A_174 = arith.index_cast %parallel_loop3A_173 : i32 to index
        %parallel_loop3A_175 = arith.index_cast %parallel_loop3A_172 : i32 to index
        %parallel_loop3A_176 = tpu.vector_load %arg12[%parallel_loop3A_174, %parallel_loop3A_175] {strides = array<i32>} : memref<8x4096xf32, #tpu.memory_space<vmem>>, vector<16xf32>,
        %parallel_loop3A_177 = tpu.vector_load_idx %arg6[%parallel_loop3A_158] : memref<1000xf32, #tpu.memory_space<vmem>>[vector<16xi32>], vector<16xf32>,
        %parallel_loop3A_178 = tpu.vector_load_idx %arg7[%parallel_loop3A_158] : memref<1000xf32, #tpu.memory_space<vmem>>[vector<16xi32>], vector<16xf32>,
        %parallel_loop3A_179 = tpu.vector_load_idx %arg8[%parallel_loop3A_158] : memref<1000xf32, #tpu.memory_space<vmem>>[vector<16xi32>], vector<16xf32>,
        %parallel_loop3A_180 = arith.mulf %parallel_loop3A_164, %parallel_loop3A_177 : vector<16xf32>
        %parallel_loop3A_181 = arith.constant 16 : i32
        %parallel_loop3A_182 = arith.muli %parallel_loop3A_181, %parallel_loop3A_154 : i32
        %parallel_loop3A_183 = arith.constant 4 : i32
        %parallel_loop3A_184 = arith.index_cast %parallel_loop3A_183 : i32 to index
        %parallel_loop3A_185 = arith.index_cast %parallel_loop3A_182 : i32 to index
        %parallel_loop3A_186 = tpu.vector_load %arg12[%parallel_loop3A_184, %parallel_loop3A_185] {strides = array<i32>} : memref<8x4096xf32, #tpu.memory_space<vmem>>, vector<16xf32>,
        tpu.vector_store %arg12[%parallel_loop3A_184, %parallel_loop3A_185], %parallel_loop3A_180 {strides = array<i32>} : memref<8x4096xf32, #tpu.memory_space<vmem>>, vector<16xf32>,
        %parallel_loop3A_187 = arith.mulf %parallel_loop3A_170, %parallel_loop3A_178 : vector<16xf32>
        %parallel_loop3A_188 = arith.constant 16 : i32
        %parallel_loop3A_189 = arith.muli %parallel_loop3A_188, %parallel_loop3A_154 : i32
        %parallel_loop3A_190 = arith.constant 5 : i32
        %parallel_loop3A_191 = arith.index_cast %parallel_loop3A_190 : i32 to index
        %parallel_loop3A_192 = arith.index_cast %parallel_loop3A_189 : i32 to index
        %parallel_loop3A_193 = tpu.vector_load %arg12[%parallel_loop3A_191, %parallel_loop3A_192] {strides = array<i32>} : memref<8x4096xf32, #tpu.memory_space<vmem>>, vector<16xf32>,
        tpu.vector_store %arg12[%parallel_loop3A_191, %parallel_loop3A_192], %parallel_loop3A_187 {strides = array<i32>} : memref<8x4096xf32, #tpu.memory_space<vmem>>, vector<16xf32>,
        %parallel_loop3A_194 = arith.mulf %parallel_loop3A_176, %parallel_loop3A_179 : vector<16xf32>
        %parallel_loop3A_195 = arith.constant 16 : i32
        %parallel_loop3A_196 = arith.muli %parallel_loop3A_195, %parallel_loop3A_154 : i32
        %parallel_loop3A_197 = arith.constant 6 : i32
        %parallel_loop3A_198 = arith.index_cast %parallel_loop3A_197 : i32 to index
        %parallel_loop3A_199 = arith.index_cast %parallel_loop3A_196 : i32 to index
        %parallel_loop3A_200 = tpu.vector_load %arg12[%parallel_loop3A_198, %parallel_loop3A_199] {strides = array<i32>} : memref<8x4096xf32, #tpu.memory_space<vmem>>, vector<16xf32>,
        tpu.vector_store %arg12[%parallel_loop3A_198, %parallel_loop3A_199], %parallel_loop3A_194 {strides = array<i32>} : memref<8x4096xf32, #tpu.memory_space<vmem>>, vector<16xf32>,
      } {sc.loop_unroll_factor = 8 : i64, sc.parallel_access}
      %mul3A_141 = arith.constant 4096 : i32
      %mul3A_142 = arith.muli %add3A_110, %mul3A_141 : i32
      %add3A_143 = arith.addi %mul3A_2, %mul3A_142 : i32
      %dma_start3A_144 = arith.constant 4 : i32
      %dma_start3A_145 = arith.constant 0 : i32
      %dma_start3A_146 = tpu.memref_slice %arg12[%dma_start3A_144, %dma_start3A_145] : memref<8x4096xf32, #tpu.memory_space<vmem>> -> memref<3x4096xf32, #tpu.memory_space<vmem>>
      %dma_start3A_147 = arith.constant 0 : i32
      %dma_start3A_148 = tpu.memref_slice %arg5[%dma_start3A_147, %add3A_143] : memref<3x2097152xf32, #tpu.memory_space<hbm>> -> memref<3x4096xf32, #tpu.memory_space<hbm>>
      %dma_start3A_149 = arith.constant 0 : i32
      %dma_start3A_150 = tpu.memref_slice %arg5[%dma_start3A_149, %add3A_143] : memref<3x2097152xf32, #tpu.memory_space<hbm>> -> memref<3x4096xf32, #tpu.memory_space<hbm>>
      %dma_start3A_151 = arith.constant 4 : i32
      %dma_start3A_152 = arith.constant 0 : i32
      %dma_start3A_153 = tpu.memref_slice %arg12[%dma_start3A_151, %dma_start3A_152] : memref<8x4096xf32, #tpu.memory_space<vmem>> -> memref<3x4096xf32, #tpu.memory_space<vmem>>
      tpu.enqueue_dma source(%dma_start3A_153 : memref<3x4096xf32, #tpu.memory_space<vmem>>) target(%dma_start3A_150 : memref<3x4096xf32, #tpu.memory_space<hbm>>) target_semaphore(%arg16 : memref<!tpu.dma_semaphore, #tpu.memory_space<semaphore_mem>>)
    }
    %scan3A_43 = arith.constant 8 : i32
    %add3A_44 = arith.constant 57344 : i32
    %add3A_45 = arith.addi %mul3A_2, %add3A_44 : i32
    %dma_wait3A_46 = arith.constant 4 : i32
    %dma_wait3A_47 = arith.constant 0 : i32
    %dma_wait3A_48 = tpu.memref_slice %arg11[%dma_wait3A_46, %dma_wait3A_47] : memref<8x4096xf32, #tpu.memory_space<vmem>> -> memref<3x4096xf32, #tpu.memory_space<vmem>>
    %dma_wait3A_49 = arith.constant 0 : i32
    %dma_wait3A_50 = tpu.memref_slice %arg5[%dma_wait3A_49, %add3A_45] : memref<3x2097152xf32, #tpu.memory_space<hbm>> -> memref<3x4096xf32, #tpu.memory_space<hbm>>
    %dma_wait3A_51 = arith.constant 0 : i32
    %dma_wait3A_52 = tpu.memref_slice %arg5[%dma_wait3A_51, %add3A_45] : memref<3x2097152xf32, #tpu.memory_space<hbm>> -> memref<3x4096xf32, #tpu.memory_space<hbm>>
    %dma_wait3A_53 = arith.constant 4 : i32
    %dma_wait3A_54 = arith.constant 0 : i32
    %dma_wait3A_55 = tpu.memref_slice %arg11[%dma_wait3A_53, %dma_wait3A_54] : memref<8x4096xf32, #tpu.memory_space<vmem>> -> memref<3x4096xf32, #tpu.memory_space<vmem>>
    tpu.wait_dma2 semaphore(%arg15 : memref<!tpu.dma_semaphore, #tpu.memory_space<semaphore_mem>>) src(%dma_wait3A_55 : memref<3x4096xf32, #tpu.memory_space<vmem>>) dst(%dma_wait3A_52 : memref<3x4096xf32, #tpu.memory_space<hbm>>)
    %add3A_56 = arith.constant 61440 : i32
    %add3A_57 = arith.addi %mul3A_2, %add3A_56 : i32
    %dma_wait3A_58 = arith.constant 4 : i32
    %dma_wait3A_59 = arith.constant 0 : i32
    %dma_wait3A_60 = tpu.memref_slice %arg12[%dma_wait3A_58, %dma_wait3A_59] : memref<8x4096xf32, #tpu.memory_space<vmem>> -> memref<3x4096xf32, #tpu.memory_space<vmem>>
    %dma_wait3A_61 = arith.constant 0 : i32
    %dma_wait3A_62 = tpu.memref_slice %arg5[%dma_wait3A_61, %add3A_57] : memref<3x2097152xf32, #tpu.memory_space<hbm>> -> memref<3x4096xf32, #tpu.memory_space<hbm>>
    %dma_wait3A_63 = arith.constant 0 : i32
    %dma_wait3A_64 = tpu.memref_slice %arg5[%dma_wait3A_63, %add3A_57] : memref<3x2097152xf32, #tpu.memory_space<hbm>> -> memref<3x4096xf32, #tpu.memory_space<hbm>>
    %dma_wait3A_65 = arith.constant 4 : i32
    %dma_wait3A_66 = arith.constant 0 : i32
    %dma_wait3A_67 = tpu.memref_slice %arg12[%dma_wait3A_65, %dma_wait3A_66] : memref<8x4096xf32, #tpu.memory_space<vmem>> -> memref<3x4096xf32, #tpu.memory_space<vmem>>
    tpu.wait_dma2 semaphore(%arg16 : memref<!tpu.dma_semaphore, #tpu.memory_space<semaphore_mem>>) src(%dma_wait3A_67 : memref<3x4096xf32, #tpu.memory_space<vmem>>) dst(%dma_wait3A_64 : memref<3x4096xf32, #tpu.memory_space<hbm>>)
    return
  }
}

</mosaic_0001>

<sc_bundles>
// kernel: kernel.3.cloned.1.call-start
scs
__scs_entry_jumppad:
0x0: {  	(pc) =	sbr.rel $0x88, $3  }
0x1: {  	(tag) =	ssettag $0x0;
	lr =	simm.s32 $0x1  }
0x2: {  	[smem:$0x3F9E] =	sst lr;
	_ =	strace $0xD0000000  }
0x3: {  	_ = 	snop  }
0x4: {  	_ = 	snop  }
0x5: {  	_ = 	snop  }
0x6: {  	_ = 	snop  }
0x7: {  	_ = 	snop  }
__scs_overlays_trampoline_lowered:
0x8: {  	[smem:$0x3FAD] =	sst s0  }
0x9: {  	[smem:$0x3FAE] =	sst s1  }
0xa: {  	[smem:$0x3FAF] =	sst s2  }
0xb: {  	[smem:$0x3FB0] =	sst s3  }
0xc: {  	[smem:$0x3FB1] =	sst s4  }
0xd: {  	[smem:$0x3FB2] =	sst s5  }
0xe: {  	[smem:$0x3FB3] =	sst s6  }
0xf: {  	[smem:$0x3FB4] =	sst s7  }
0x10: {  	[smem:$0x3FB5] =	sst s8  }
0x11: {  	[smem:$0x3FB6] =	sst s9;
	s0 =	simm.s32 @!p0 $0x0  }
0x12: {  	s1 =	sld [smem:$0x3F9C];
	s0 =	simm.s32 @p0 $0x1  }
0x13: {  	[smem:$0x3FB7] =	sst s0;
	s0 =	simm.s32 @!p1 $0x0  }
0x14: {  	s2 =	sld [smem:$0x3F9B];
	s0 =	simm.s32 @p1 $0x1  }
0x15: {  	[smem:$0x3FB8] =	sst s0;
	s0 =	simm.s32 @!p2 $0x0  }
0x16: {  	s3 =	sld [smem:$0x3FDB];
	s0 =	simm.s32 @p2 $0x1  }
0x17: {  	s4 =	simm.s32 $0x1BF5;
	[smem:$0x3FBA] =	sst s0  }
0x18: {  	s0 =	sld [smem:$0x3F9D];
	_ =	swait.ge [sflag:s4], $0x0  }
0x19: {  	s7 =	sld [smem:$0x3F9E]  }
0x1a: {  	s8 =	sadd.s32 $0xFFFFE003, lr  }
0x1b: {  	s9 =	sadd.s32 $0xFFFFFEF7, lr;
	s5 =	simm.s32 $0xFFFFFFFF;
	p2 =	slt.u32 s8, $0xFFFFF086  }
0x1c: {  	p1 =	slt.u32 s9, $0xF7A;
	s5 =	simm.s32 @!p2 $0x0  }
0x1d: {  	s5 =	simm.s32 @p1 $0x1;
	p0 =	seq.s32 s7, s2  }
0x1e: {  	s7 =	smul.u32 @!p0 $0xF7A, s2;
	p2 =	seq.s32 @!p0 s5, $0x0  }
0x1f: {  	s9 =	smul.u32 $0xF7A, s1;
	s8 =	simm.s32 @!p0 $0x1BF5;
	p2 =	por !p2, p0  }
0x20: {  	[sflag:s8] =	ssyncset.s32 @!p0 $0xFFFFF086;
	s6 =	sadd.s32 @!p0 s3, s7;
	s7 =	simm.s32 @!p0 $0x108  }
0x21: {  	s3 =	sadd.s32 s3, s9;
	s6 =	sadd.s32 @!p0 $0x88, s6;
	s7 =	simm.s32 @p2 $0x1082  }
0x22: {  	[simem:s7], [sflag:s8] =	dma.local @!p0 [hbm:s6], $0xF7A  }
0x23: {  	s9 =	sor.u32 $0xD0000000, s2;
	s6 =	simm.s32 $0x108;
	_ =	swait.ge @!p0 [sflag:s8], $0x0  }
0x24: {  	s3 =	sadd.s32 $0x88, s3;
	s6 =	simm.s32 @!p1 $0x1082;
	[sflag:s4] =	ssyncset.s32 $0xFFFFF086  }
0x25: {  	[simem:s6], [sflag:s4] =	dma.local [hbm:s3], $0xF7A  }
0x26: {  	[smem:$0x3F9E] =	sst s1;
	(tag) =	ssettag s2;
	_ =	strace s9  }
0x27: {  	s1 =	sld [smem:$0x3FAE]  }
0x28: {  	s2 =	sld [smem:$0x3FAF]  }
0x29: {  	s4 =	sld [smem:$0x3FB1]  }
0x2a: {  	p0 =	seq.s32 s5, $0x0;
	s5 =	sld [smem:$0x3FB2]  }
0x2b: {  	s6 =	sld [smem:$0x3FB3]  }
0x2c: {  	s7 =	sld [smem:$0x3FB4]  }
0x2d: {  	s3 =	simm.s32 $0x108;
	s8 =	sld [smem:$0x3FB5]  }
0x2e: {  	s3 =	simm.s32 @!p0 $0x1082;
	s9 =	sld [smem:$0x3FB6]  }
0x2f: {  	lr =	sadd.s32 s0, s3;
	s0 =	sld [smem:$0x3FAD]  }
0x30: {  	s3 =	sld [smem:$0x3FB0]  }
0x31: {  	[smem:$0x3FB9] =	sst s10  }
0x32: {  	s10 =	sld [smem:$0x3FB7];
	_ =	sdelay $0x3  }
0x33: {  	p0 =	seq.s32 s10, $0x1;
	s10 =	sld [smem:$0x3FB9];
	_ =	sdelay $0x3  }
0x34: {  	[smem:$0x3FB9] =	sst s10  }
0x35: {  	s10 =	sld [smem:$0x3FB8];
	_ =	sdelay $0x3  }
0x36: {  	p1 =	seq.s32 s10, $0x1;
	s10 =	sld [smem:$0x3FB9];
	_ =	sdelay $0x3  }
0x37: {  	[smem:$0x3FB9] =	sst s10  }
0x38: {  	s10 =	sld [smem:$0x3FBA]  }
0x39: {  	_ = 	snop;
	(pc) =	sbr.ind lr, $3  }
0x3a: {  	_ = 	snop  }
0x3b: {  	_ = 	snop  }
0x3c: {  	p2 =	seq.s32 s10, $0x1;
	s10 =	sld [smem:$0x3FB9]  }
0x3d: {  	_ =	shalt  }
0x3e: {  	_ =	shalt  }
0x3f: {  	_ =	shalt  }
0x40: {  	_ =	shalt  }
0x41: {  	_ =	shalt  }
0x42: {  	_ =	shalt  }
0x43: {  	_ =	shalt  }
0x44: {  	_ =	shalt  }
0x45: {  	_ =	shalt  }
0x46: {  	_ =	shalt  }
0x47: {  	_ =	shalt  }
0x48: {  	_ =	shalt  }
0x49: {  	_ =	shalt  }
0x4a: {  	_ =	shalt  }
0x4b: {  	_ =	shalt  }
0x4c: {  	_ =	shalt  }
0x4d: {  	_ =	shalt  }
0x4e: {  	_ =	shalt  }
0x4f: {  	_ =	shalt  }
0x50: {  	_ =	shalt  }
0x51: {  	_ =	shalt  }
0x52: {  	_ =	shalt  }
0x53: {  	_ =	shalt  }
0x54: {  	_ =	shalt  }
0x55: {  	_ =	shalt  }
0x56: {  	_ =	shalt  }
0x57: {  	_ =	shalt  }
0x58: {  	_ =	shalt  }
0x59: {  	_ =	shalt  }
0x5a: {  	_ =	shalt  }
0x5b: {  	_ =	shalt  }
0x5c: {  	_ =	shalt  }
0x5d: {  	_ =	shalt  }
0x5e: {  	_ =	shalt  }
0x5f: {  	_ =	shalt  }
0x60: {  	_ =	shalt  }
0x61: {  	_ =	shalt  }
0x62: {  	_ =	shalt  }
0x63: {  	_ =	shalt  }
0x64: {  	_ =	shalt  }
0x65: {  	_ =	shalt  }
0x66: {  	_ =	shalt  }
0x67: {  	_ =	shalt  }
0x68: {  	_ =	shalt  }
0x69: {  	_ =	shalt  }
0x6a: {  	_ =	shalt  }
0x6b: {  	_ =	shalt  }
0x6c: {  	_ =	shalt  }
0x6d: {  	_ =	shalt  }
0x6e: {  	_ =	shalt  }
0x6f: {  	_ =	shalt  }
0x70: {  	_ =	shalt  }
0x71: {  	_ =	shalt  }
0x72: {  	_ =	shalt  }
0x73: {  	_ =	shalt  }
0x74: {  	_ =	shalt  }
0x75: {  	_ =	shalt  }
0x76: {  	_ =	shalt  }
0x77: {  	_ =	shalt  }
0x78: {  	_ =	shalt  }
0x79: {  	_ =	shalt  }
0x7a: {  	_ =	shalt  }
0x7b: {  	_ =	shalt  }
0x7c: {  	_ =	shalt  }
0x7d: {  	_ =	shalt  }
0x7e: {  	_ =	shalt  }
0x7f: {  	_ =	shalt  }
0x80: {  	_ =	shalt  }
0x81: {  	_ =	shalt  }
0x82: {  	_ =	shalt  }
0x83: {  	_ =	shalt  }
0x84: {  	_ =	shalt  }
0x85: {  	_ =	shalt  }
0x86: {  	_ =	shalt  }
0x87: {  	_ =	shalt  }
.Lfunc_end0:
.L_simem_size_0:
called_computation_lowered:
.L_overlay_start_0:
0x88: {  	s2 =	sld [smem:$0x3FD9]  }
0x89: {  	s3 =	sld [smem:$0x3FFE];
	_ =	sdelay $0x1  }
0x8a: {  	s1 =	srdreg.scid  }
0x8b: {  	s0 =	sand.u32 $0x1, s1  }
0x8c: {  	s17 =	sshll.u32 s0, $0xA;
	s2 =	sadd.s32 s3, s2  }
0x8d: {  	s2 =	sadd.s32 s2, s17  }
0x8e: {  	[smem:$0x3FC5] =	sst s2  }
0x8f: {  	_ = 	snop  }
0x90: {  	s2 =	sld [smem:$0x3FC9]  }
0x91: {  	s18 =	sld [smem:$0x3FC8]  }
0x92: {  	s4 =	sld [smem:$0x3FD0];
	(tm) =	ssettm $0x1  }
0x93: {  	s5 =	sld [smem:$0x3FFB];
	_ =	sdelay $0x3  }
0x94: {  	_ =	strace s5  }
0x95: {  	s5 =	sld [smem:$0x3FFC];
	_ =	sdelay $0x3  }
0x96: {  	_ =	strace s5  }
0x97: {  	s5 =	sld [smem:$0x3FFD];
	_ =	sdelay $0x3  }
0x98: {  	_ =	strace s5  }
0x99: {  	_ =	strace $0x8FFFFFFF  }
0x9a: {  	s19 =	sld [smem:$0x3FDB];
	_ =	sdelay $0x1  }
0x9b: {  	s6 =	simm.s32 $_scs_section_size  }
0x9c: {  	s7 =	simm.s32 $_size__tile_overlayer_lowered;
	s8 =	simm.s32 $_tile_overlayer_lowered  }
0x9d: {  	s22 =	simm.s32 $0x1BFF;
	s21 =	sshll.u32 s8, $0x1;
	s5 =	sadd.s32 s6, s19  }
0x9e: {  	s9 =	simm.s32 $0x0;
	s20 =	sshll.u32 s7, $0x1;
	s7 =	sadd.s32 s21, s5  }
0x9f: {  	[timem:s9], [sflag:s22] =	dma.local [hbm:s7], s20  }
0xa0: {  	_ =	swait.ge [sflag:s22], s20  }
0xa1: {  	s6 =	ssub.s32 $0x0, s20;
	[sflag:s22] =	ssyncset.done $0x0  }
0xa2: {  	[sflag:s22] =	ssyncadd.s32 s6;
	_ =	sdelay $0x1  }
0xa3: {  	s23 =	simm.s32 $0x1B8B  }
0xa4: {  	_ =	swait.ge [sflag:s23], $0x1  }
0xa5: {  	[sflag:s23] =	ssyncset.done $0x0  }
0xa6: {  	s25 =	simm.s32 $0x1B8E;
	s24 =	sld [smem:$0x3FFE];
	[sflag:s23] =	ssyncadd.s32 $0xFFFFFFFF  }
0xa7: {  	s26 =	simm.s32 $execute0_lowered;
	[smem:$0x3FD2] =	sst s25  }
0xa8: {  	s7 =	sshll.u32 s26, $0x1;
	_ =	strace $0x80000046;
	[dreg:$0x1] =	wrdreg $0xFFFFFFFF  }
0xa9: {  	s28 =	simm.s32 $_size_execute0_lowered;
	s5 =	sadd.s32 s5, s7;
	[dreg:$0x0] =	wrdreg $0x0  }
0xaa: {  	s7 =	sshll.u32 s28, $0x1;
	[dreg:$0x2] =	wrdreg s5  }
0xab: {  	[dreg:$0x3] =	wrdreg s7  }
0xac: {  	[dreg:$0x4] =	wrdreg $0xC0  }
0xad: {  	_ =	task [dreg:s9], $0x5FFFF  }
0xae: {  	[dreg:$0x1] =	wrdreg $0xFFFFFFFF  }
0xaf: {  	[dreg:$0x0] =	wrdreg $0x60  }
0xb0: {  	[dreg:$0x2] =	wrdreg s2  }
0xb1: {  	[dreg:$0x3] =	wrdreg s18  }
0xb2: {  	[dreg:$0x4] =	wrdreg s24  }
0xb3: {  	[dreg:$0x5] =	wrdreg s4  }
0xb4: {  	[dreg:$0x6] =	wrdreg $0x9  }
0xb5: {  	_ =	task.clear_ibuf [dreg:s9], $0x7FFFF;
	_ =	strace $0x90000046  }
0xb6: {  	s29 =	simm.s32 $0x9;
	_ =	strace $0x80000048  }
0xb7: {  	_ =	swait.ge [sflag:s29], $0x1  }
0xb8: {  	[sflag:s29] =	ssyncadd.s32 $0xFFFFFFFF  }
0xb9: {  	_ =	strace $0x90000048  }
0xba: {  	_ =	sfence  }
0xbb: {  	s30 =	sld [smem:$0x0];
	_ =	sdelay $0x2  }
0xbc: {  	s31 =	sshll.u32 s1, $0xD;
	s1 =	sshrl.u32 s1, $0x2  }
0xbd: {  	s3 =	sand.u32 $0x4000, s31;
	s1 =	sadd.s32 s1, s30  }
0xbe: {  	s0 =	sor.u32 s3, s0;
	s1 =	sshll.u32 s1, $0x11  }
0xbf: {  	s0 =	sor.u32 s1, s0  }
0xc0: {  	s0 =	sadd.s32 $0x8F2B, s0  }
0xc1: {  	[sflag:s0] =	ssyncadd.remote.s32 $0x1  }
0xc2: {  	_ =	sfence.sel $0xFFFF  }
0xc3: {  	[dreg:$0x0] =	wrdreg $0xFFFFFFFF;
	(pc) =	sbr.abs _section_cstart, $3  }
0xc4: {  	[dreg:$0x1] =	wrdreg $0xFFFFFFFF  }
0xc5: {  	_ =	task.clear_ibuf [dreg:s9], $0x2FFFF;
	_ =	strace $0x9FFFFFFF  }
0xc6: {  	(tm) =	ssettm $0x7FFFFFFF  }
0xc7: {  	_ =	shalt  }
tec
execute0_lowered:
.L_overlay_start_1:
0x0: {  	(tag) =	ssettag $0x1  }
0x1: {  	s1 =	rddreg [dreg:$0x0]  }
0x2: {  	s2 =	rddreg [dreg:$0x1]  }
0x3: {  	s0 =	rddreg [dreg:$0x2]  }
0x4: {  	s3 =	rddreg [dreg:$0x3];
	s5 =	simm.s32 $0x0  }
0x5: {  	s4 =	srdreg.scid;
	s7 =	stileid.u32;
	s15 =	simm.s32 $0xC00  }
0x6: {  	s16 =	simm.s32 $0x200;
	s17 =	simm.s32 $0x800000;
	s18 =	simm.s32 $0x400  }
0x7: {  	s19 =	simm.s32 $0x800;
	s20 =	simm.s32 $0x3;
	s21 =	simm.s32 $0x1C00  }
0x8: {  	s22 =	simm.s32 $0x1;
	s23 =	simm.s32 $0x4;
	s24 =	simm.s32 $0x2  }
0x9: {  	s25 =	simm.s32 $0x0;
	[smem:$0x7FF] =	sst s5;
	s4 =	sand.u32 $0x1, s4  }
0xa: {  	s7 =	sshll.u32 s7, $0x11;
	s8 =	sadd.s32 $0x400, s0;
	s10 =	sadd.s32 $0x47D, s0  }
0xb: {  	s11 =	sadd.s32 $0x4FA, s0;
	s6 =	ssub.s32 $0x2, s4;
	s4 =	sshll.u32 s4, $0x10  }
0xc: {  	_ =	strace $0x80000047;
	s29 =	sshrl.u32 s6, $0x1;
	s7 =	sor.u32 s4, s7  }
0xd: {  	[dreg:$0x5] =	wrdreg s8;
	s30 =	ssub.s32 s6, s29;
	s31 =	sshrl.u32 s7, $0x3  }
0xe: {  	s9 =	sshrl.u32 s7, $0x1;
	s12 =	sshll.u32 s7, $0x2;
	s13 =	sor.u32 $0x2000, s7  }
0xf: {  	s8 =	sadd.s32 s2, s31;
	s9 =	sadd.s32 s1, s9;
	s14 =	smax.u32 s30, $0x1  }
.LBB2_1:
0x10: {  	[tilespmem:s15], [sflag:$0x1] =	stream.linear.gather [hbm4b:s8+s5], $0x1000, $0x38;
	[tilespmem:$0x12C00] =	vst v63  }
0x11: {  	s0 =	simm.s32 $0x2C00  }
0x12: {  	s26 =	simm.s32 $0x40;
	s4 =	sadd.s32 $0x0, s9;
	s28 =	simm.s32 $0x3000  }
.LBB2_2:
0x13: {  	[tilespmem:s0], [sflag:$0x1] =	stream.strided.gather [hbm4b:s4+s16], $0x0, s17, s16, $0x38;
	[tilespmem:$0x12C00] =	vst v63  }
0x14: {  	s4 =	smov.u32 s26;
	s0 =	smov.u32 s28;
	p0 =	seq.s32 s26, $0x7C0  }
.Ltmp0:
0x15: {  	s26 =	sadd.s32 $0x40, s26;
	(pc) =	sbr.rel @!p0 .LBB2_2-.Ltmp0, $2  }
0x16: {  	_ =	sdelay $0x2  }
0x17: {  	s28 =	sadd.s32 $0x400, s28;
	s4 =	sadd.s32 s4, s9  }
0x18: {  	[tilespmem:s0], [sflag:$0x1] =	stream.strided.gather [hbm4b:s4+s16], $0x0, s17, s16, $0x38;
	[tilespmem:$0x12C00] =	vst v63  }
0x19: {  	s0 =	simm.s32 $0x2C00  }
0x1a: {  	s26 =	simm.s32 $0x40;
	s4 =	sadd.s32 $0x0, s9;
	s28 =	simm.s32 $0x3000  }
.LBB2_4:
0x1b: {  	[tilespmem:s0], [sflag:$0x1] =	stream.linear.gather [hbm4b:s4+s5], $0x180, $0x38;
	[tilespmem:$0x12C00] =	vst v63  }
0x1c: {  	s4 =	smov.u32 s26;
	s0 =	smov.u32 s28;
	p0 =	sne.s32 s26, $0x7C0  }
.Ltmp1:
0x1d: {  	s26 =	sadd.s32 $0x40, s26;
	(pc) =	sbr.rel @p0 .LBB2_4-.Ltmp1, $2  }
0x1e: {  	_ =	sdelay $0x2  }
0x1f: {  	s28 =	sadd.s32 $0x400, s28;
	s4 =	sadd.s32 s4, s9  }
0x20: {  	[tilespmem:s0], [sflag:$0x1] =	stream.linear.gather [hbm4b:s4+s5], $0x180, $0x38;
	[tilespmem:$0x12C00] =	vst v63  }
0x21: {  	s26 =	simm.s32 $0x0;
	s31 =	rddreg [dreg:$0x5]  }
0x22: {  	[tilespmem:s26], [sflag:$0x3] =	stream.linear.gather [hbm4b:s31+s26], $0x3E8, $0x38;
	[tilespmem:$0x12C00] =	vst v63  }
0x23: {  	_ = 	snop  }
0x24: {  	[tilespmem:s18], [sflag:$0x3] =	stream.linear.gather [hbm4b:s10+s26], $0x3E8, $0x38;
	[tilespmem:$0x12C00] =	vst v63  }
0x25: {  	_ = 	snop  }
0x26: {  	[tilespmem:s19], [sflag:$0x3] =	stream.linear.gather [hbm4b:s11+s26], $0x3E8, $0x38;
	[tilespmem:$0x12C00] =	vst v63  }
0x27: {  	_ =	swait.ge [sflag:s20], $0x3E8  }
0x28: {  	[sflag:s20] =	ssyncset.done $0x0  }
0x29: {  	[sflag:s20] =	ssyncadd.s32 $0xFFFFFC18  }
0x2a: {  	_ =	swait.ge [sflag:s20], $0x3E8  }
0x2b: {  	[sflag:s20] =	ssyncset.done $0x0  }
0x2c: {  	[sflag:s20] =	ssyncadd.s32 $0xFFFFFC18  }
0x2d: {  	_ =	swait.ge [sflag:s20], $0x3E8  }
0x2e: {  	[sflag:s20] =	ssyncset.done $0x0  }
0x2f: {  	s28 =	simm.s32 $0x0;
	[sflag:s20] =	ssyncadd.s32 $0xFFFFFC18  }
.LBB2_6:
0x30: {  	s29 =	sshllo.u32 s28, $0x1  }
0x31: {  	s0 =	sshll.u32 s29, $0xC  }
0x32: {  	s0 =	sadd.s32 s7, s0  }
0x33: {  	s4 =	sshrl.u32 s0, $0x3;
	s0 =	sshrl.u32 s0, $0x1  }
0x34: {  	s30 =	simm.s32 $0xAC00;
	s4 =	sadd.s32 s2, s4;
	s0 =	sadd.s32 s1, s0  }
0x35: {  	[tilespmem:s21], [sflag:$0x2] =	stream.linear.gather [hbm4b:s4+s26], $0x1000, $0x38;
	[tilespmem:$0x12C00] =	vst v63  }
0x36: {  	s31 =	simm.s32 $0x40;
	s6 =	sadd.s32 $0x0, s0;
	s4 =	simm.s32 $0xB000  }
.LBB2_7:
0x37: {  	[tilespmem:s30], [sflag:$0x2] =	stream.strided.gather [hbm4b:s6+s16], $0x0, s17, s16, $0x38;
	[tilespmem:$0x12C00] =	vst v63  }
0x38: {  	s6 =	smov.u32 s31;
	s30 =	smov.u32 s4;
	p0 =	seq.s32 s31, $0x7C0  }
.Ltmp2:
0x39: {  	s31 =	sadd.s32 $0x40, s31;
	(pc) =	sbr.rel @!p0 .LBB2_7-.Ltmp2, $2  }
0x3a: {  	_ =	sdelay $0x2  }
0x3b: {  	s4 =	sadd.s32 $0x400, s4;
	s6 =	sadd.s32 s6, s0  }
0x3c: {  	[tilespmem:s30], [sflag:$0x2] =	stream.strided.gather [hbm4b:s6+s16], $0x0, s17, s16, $0x38;
	[tilespmem:$0x12C00] =	vst v63  }
0x3d: {  	s30 =	simm.s32 $0xAC00  }
0x3e: {  	s31 =	simm.s32 $0x40;
	s6 =	sadd.s32 $0x0, s0;
	s4 =	simm.s32 $0xB000  }
.LBB2_9:
0x3f: {  	[tilespmem:s30], [sflag:$0x2] =	stream.linear.gather [hbm4b:s6+s5], $0x180, $0x38;
	[tilespmem:$0x12C00] =	vst v63  }
0x40: {  	s6 =	smov.u32 s31;
	s30 =	smov.u32 s4;
	p0 =	sne.s32 s31, $0x7C0  }
.Ltmp3:
0x41: {  	s31 =	sadd.s32 $0x40, s31;
	(pc) =	sbr.rel @p0 .LBB2_9-.Ltmp3, $2  }
0x42: {  	_ =	sdelay $0x2  }
0x43: {  	s4 =	sadd.s32 $0x400, s4;
	s6 =	sadd.s32 s6, s0  }
0x44: {  	[tilespmem:s30], [sflag:$0x2] =	stream.linear.gather [hbm4b:s6+s5], $0x180, $0x38;
	[tilespmem:$0x12C00] =	vst v63  }
0x45: {  	p0 =	seq.s32 s28, $0x0  }
0x46: {  	s0 =	simm.s32 @!p0 $0x3  }
0x47: {  	_ =	swait.ge @!p0 [sflag:s0], $0x3000  }
0x48: {  	[sflag:s0] =	ssyncset.done @!p0 $0x0  }
0x49: {  	[sflag:s0] =	ssyncadd.s32 @!p0 $0xFFFFD000  }
0x4a: {  	_ =	swait.ge [sflag:s22], $0x1000  }
0x4b: {  	[sflag:s22] =	ssyncset.done $0x0  }
0x4c: {  	[sflag:s22] =	ssyncadd.s32 $0xFFFFF000  }
0x4d: {  	_ =	swait.ge [sflag:s22], $0x3000  }
0x4e: {  	[sflag:s22] =	ssyncset.done $0x0  }
0x4f: {  	s6 =	simm.s32 $0xC40;
	[sflag:s22] =	ssyncadd.s32 $0xFFFFD000  }
0x50: {  	v0 =	vld [tilespmem:s6+$0x30]  }
0x51: {  	v1 =	vld [tilespmem:s6+$0xFFFFFFD0]  }
0x52: {  	v2 =	vld [tilespmem:s6+$0xFFFFFFE0]  }
0x53: {  	v3 =	vld [tilespmem:s6+$0xFFFFFFF0]  }
0x54: {  	v4 =	vld [tilespmem:s6+$0x0]  }
0x55: {  	v5 =	vld [tilespmem:s6+$0x10]  }
0x56: {  	v6 =	vld [tilespmem:s6+$0x20]  }
0x57: {  	s30 =	simm.s32 $0x2E00;
	v7 =	vld [tilespmem:s6+$0xFFFFFFC0]  }
0x58: {  	v9 =	vld [tilespmem:s30+$0xFFFFFF70]  }
0x59: {  	v27 =	vld [tilespmem:s30+$0xFFFFFF00]  }
0x5a: {  	v28 =	vld [tilespmem:s30+$0xFFFFFE10]  }
0x5b: {  	v61 =	vld [tilespmem:s30+$0xFFFFFF10]  }
0x5c: {  	v8 =	vld.idx.msk [tilespmem:v0+s19+$0x0], $0xffff  }
0x5d: {  	v10 =	vld.idx.msk [tilespmem:v1+s5+$0x0], $0xffff  }
0x5e: {  	v11 =	vld.idx.msk [tilespmem:v1+s18+$0x0], $0xffff  }
0x5f: {  	v12 =	vld.idx.msk [tilespmem:v1+s19+$0x0], $0xffff  }
0x60: {  	v13 =	vld.idx.msk [tilespmem:v2+s5+$0x0], $0xffff  }
0x61: {  	v14 =	vld.idx.msk [tilespmem:v2+s18+$0x0], $0xffff  }
0x62: {  	v15 =	vld.idx.msk [tilespmem:v7+s5+$0x0], $0xffff  }
0x63: {  	v16 =	vld.idx.msk [tilespmem:v7+s18+$0x0], $0xffff  }
0x64: {  	v17 =	vld.idx.msk [tilespmem:v2+s19+$0x0], $0xffff  }
0x65: {  	v18 =	vld.idx.msk [tilespmem:v3+s5+$0x0], $0xffff  }
0x66: {  	v19 =	vld.idx.msk [tilespmem:v3+s18+$0x0], $0xffff  }
0x67: {  	v20 =	vld.idx.msk [tilespmem:v3+s19+$0x0], $0xffff  }
0x68: {  	v21 =	vld.idx.msk [tilespmem:v4+s5+$0x0], $0xffff  }
0x69: {  	v22 =	vld.idx.msk [tilespmem:v4+s18+$0x0], $0xffff  }
0x6a: {  	v23 =	vld.idx.msk [tilespmem:v4+s19+$0x0], $0xffff  }
0x6b: {  	v24 =	vld.idx.msk [tilespmem:v5+s5+$0x0], $0xffff  }
0x6c: {  	v25 =	vld.idx.msk [tilespmem:v5+s18+$0x0], $0xffff  }
0x6d: {  	v26 =	vld.idx.msk [tilespmem:v5+s19+$0x0], $0xffff  }
0x6e: {  	v4 =	vld.idx.msk [tilespmem:v6+s5+$0x0], $0xffff  }
0x6f: {  	v3 =	vld.idx.msk [tilespmem:v6+s18+$0x0], $0xffff  }
0x70: {  	v2 =	vld.idx.msk [tilespmem:v6+s19+$0x0], $0xffff  }
0x71: {  	v5 =	vld [tilespmem:s30+$0xFFFFFE00]  }
0x72: {  	v6 =	vld [tilespmem:s30+$0xFFFFFE80]  }
0x73: {  	v7 =	vld.idx.msk [tilespmem:v7+s19+$0x0], $0xffff  }
0x74: {  	v1 =	vld.idx.msk [tilespmem:v0+s5+$0x0], $0xffff  }
0x75: {  	v8 =	vmul.f32 v8, v9;
	v9 =	vld [tilespmem:s30+$0xFFFFFE90]  }
0x76: {  	v0 =	vld.idx.msk [tilespmem:v0+s18+$0x0], $0xffff;
	v5 =	vmul.f32 v15, v5  }
0x77: {  	v6 =	vmul.f32 v16, v6;
	[tilespmem:s30+$0x170] =	vst v8;
	v8 =	vld [tilespmem:s30+$0xFFFFFE20]  }
0x78: {  	[tilespmem:s30+$0x0] =	vst v5;
	v5 =	vmul.f32 v7, v27;
	v7 =	vld [tilespmem:s30+$0xFFFFFEA0]  }
0x79: {  	[tilespmem:s30+$0x80] =	vst v6;
	v6 =	vmul.f32 v10, v28;
	v10 =	vld [tilespmem:s30+$0xFFFFFF20]  }
0x7a: {  	[tilespmem:s30+$0x100] =	vst v5;
	v5 =	vmul.f32 v11, v9;
	v9 =	vld [tilespmem:s30+$0xFFFFFE30]  }
0x7b: {  	[tilespmem:s30+$0x10] =	vst v6;
	v6 =	vmul.f32 v12, v61;
	v11 =	vld [tilespmem:s30+$0xFFFFFEB0]  }
0x7c: {  	[tilespmem:s30+$0x90] =	vst v5;
	v5 =	vmul.f32 v13, v8;
	v8 =	vld [tilespmem:s30+$0xFFFFFF30]  }
0x7d: {  	[tilespmem:s30+$0x110] =	vst v6;
	v6 =	vmul.f32 v14, v7;
	v7 =	vld [tilespmem:s30+$0xFFFFFE40]  }
0x7e: {  	[tilespmem:s30+$0x20] =	vst v5;
	v5 =	vmul.f32 v17, v10;
	v10 =	vld [tilespmem:s30+$0xFFFFFEC0]  }
0x7f: {  	[tilespmem:s30+$0xA0] =	vst v6;
	v6 =	vmul.f32 v18, v9;
	v9 =	vld [tilespmem:s30+$0xFFFFFF40]  }
0x80: {  	[tilespmem:s30+$0x120] =	vst v5;
	v5 =	vmul.f32 v19, v11;
	v11 =	vld [tilespmem:s30+$0xFFFFFE50]  }
0x81: {  	v62 =	vld [tilespmem:s30+$0xFFFFFED0];
	[tilespmem:s30+$0x30] =	vst v6;
	v6 =	vmul.f32 v20, v8  }
0x82: {  	v63 =	vld [tilespmem:s30+$0xFFFFFF50];
	v7 =	vmul.f32 v21, v7;
	[tilespmem:s30+$0xB0] =	vst v5  }
0x83: {  	v5 =	vld [tilespmem:s30+$0xFFFFFE60];
	[tilespmem:s30+$0x130] =	vst v6;
	v8 =	vmul.f32 v22, v10  }
0x84: {  	[tilespmem:s30+$0x40] =	vst v7;
	v6 =	vld [tilespmem:s30+$0xFFFFFEE0];
	v9 =	vmul.f32 v23, v9  }
0x85: {  	v7 =	vld [tilespmem:s30+$0xFFFFFF60];
	[tilespmem:s30+$0xC0] =	vst v8;
	v10 =	vmul.f32 v24, v11  }
0x86: {  	v8 =	vld [tilespmem:s30+$0xFFFFFE70];
	v11 =	vmul.f32 v25, v62;
	[tilespmem:s30+$0x140] =	vst v9  }
0x87: {  	s31 =	simm.s32 $0x0;
	s0 =	simm.s32 $0xCC0;
	v9 =	vld [tilespmem:s30+$0xFFFFFEF0];
	[tilespmem:s30+$0x50] =	vst v10;
	v10 =	vmul.f32 v26, v63  }
.LBB2_11:
0x88: {  	v12 =	vld [tilespmem:s0+$0x30];
	s31 =	sadd.s32 $0x8, s31;
	[tilespmem:s30+$0xD0] =	vst v11;
	v4 =	vmul.f32 v4, v5  }
0x89: {  	v5 =	vld [tilespmem:s0+$0xFFFFFFD0];
	p1 =	slt.u32 s31, $0xF8;
	[tilespmem:s30+$0x150] =	vst v10;
	v3 =	vmul.f32 v3, v6  }
0x8a: {  	v6 =	vld [tilespmem:s0+$0xFFFFFFE0];
	[tilespmem:s30+$0x60] =	vst v4;
	v2 =	vmul.f32 v2, v7  }
0x8b: {  	v4 =	vld [tilespmem:s0+$0xFFFFFFF0];
	[tilespmem:s30+$0xE0] =	vst v3;
	v1 =	vmul.f32 v1, v8  }
0x8c: {  	v3 =	vld [tilespmem:s0+$0x0];
	[tilespmem:s30+$0x160] =	vst v2;
	v0 =	vmul.f32 v0, v9  }
0x8d: {  	v2 =	vld [tilespmem:s0+$0x10];
	[tilespmem:s30+$0x70] =	vst v1  }
0x8e: {  	v7 =	vld [tilespmem:s0+$0x20];
	[tilespmem:s30+$0xF0] =	vst v0  }
0x8f: {  	v8 =	vld [tilespmem:s0+$0xFFFFFFC0]  }
0x90: {  	s30 =	sadd.s32 $0x400, s30;
	v0 =	vld.idx.msk [tilespmem:v12+s19+$0x0], $0xffff  }
0x91: {  	v1 =	vld [tilespmem:s30+$0xFFFFFF70]  }
0x92: {  	v9 =	vld.idx.msk [tilespmem:v5+s5+$0x0], $0xffff  }
0x93: {  	v10 =	vld.idx.msk [tilespmem:v5+s18+$0x0], $0xffff  }
0x94: {  	v5 =	vld.idx.msk [tilespmem:v5+s19+$0x0], $0xffff  }
0x95: {  	v11 =	vld.idx.msk [tilespmem:v6+s5+$0x0], $0xffff  }
0x96: {  	v13 =	vld.idx.msk [tilespmem:v6+s18+$0x0], $0xffff;
	v14 =	vmul.f32 v0, v1  }
0x97: {  	v1 =	vld.idx.msk [tilespmem:v12+s5+$0x0], $0xffff  }
0x98: {  	v0 =	vld.idx.msk [tilespmem:v12+s18+$0x0], $0xffff;
	[tilespmem:s30+$0x170] =	vst v14  }
0x99: {  	v12 =	vld.idx.msk [tilespmem:v8+s5+$0x0], $0xffff  }
0x9a: {  	v14 =	vld.idx.msk [tilespmem:v8+s18+$0x0], $0xffff  }
0x9b: {  	v8 =	vld.idx.msk [tilespmem:v8+s19+$0x0], $0xffff  }
0x9c: {  	v6 =	vld.idx.msk [tilespmem:v6+s19+$0x0], $0xffff  }
0x9d: {  	v15 =	vld.idx.msk [tilespmem:v4+s5+$0x0], $0xffff  }
0x9e: {  	v16 =	vld.idx.msk [tilespmem:v4+s18+$0x0], $0xffff  }
0x9f: {  	v17 =	vld.idx.msk [tilespmem:v4+s19+$0x0], $0xffff  }
0xa0: {  	v18 =	vld.idx.msk [tilespmem:v3+s5+$0x0], $0xffff  }
0xa1: {  	v19 =	vld.idx.msk [tilespmem:v3+s18+$0x0], $0xffff  }
0xa2: {  	v20 =	vld.idx.msk [tilespmem:v3+s19+$0x0], $0xffff  }
0xa3: {  	v21 =	vld.idx.msk [tilespmem:v2+s5+$0x0], $0xffff  }
0xa4: {  	v22 =	vld.idx.msk [tilespmem:v2+s18+$0x0], $0xffff  }
0xa5: {  	v23 =	vld.idx.msk [tilespmem:v2+s19+$0x0], $0xffff  }
0xa6: {  	v4 =	vld.idx.msk [tilespmem:v7+s5+$0x0], $0xffff  }
0xa7: {  	v3 =	vld.idx.msk [tilespmem:v7+s18+$0x0], $0xffff  }
0xa8: {  	v2 =	vld.idx.msk [tilespmem:v7+s19+$0x0], $0xffff  }
0xa9: {  	v7 =	vld [tilespmem:s30+$0xFFFFFE00]  }
0xaa: {  	v24 =	vld [tilespmem:s30+$0xFFFFFE80]  }
0xab: {  	v25 =	vld [tilespmem:s30+$0xFFFFFF00]  }
0xac: {  	v26 =	vld [tilespmem:s30+$0xFFFFFE10]  }
0xad: {  	v27 =	vld [tilespmem:s30+$0xFFFFFE90]  }
0xae: {  	v7 =	vmul.f32 v12, v7;
	v12 =	vld [tilespmem:s30+$0xFFFFFF10]  }
0xaf: {  	v14 =	vmul.f32 v14, v24;
	v24 =	vld [tilespmem:s30+$0xFFFFFE20]  }
0xb0: {  	[tilespmem:s30+$0x0] =	vst v7;
	v7 =	vmul.f32 v8, v25;
	v8 =	vld [tilespmem:s30+$0xFFFFFEA0]  }
0xb1: {  	[tilespmem:s30+$0x80] =	vst v14;
	v9 =	vmul.f32 v9, v26;
	v14 =	vld [tilespmem:s30+$0xFFFFFF20]  }
0xb2: {  	[tilespmem:s30+$0x100] =	vst v7;
	v7 =	vmul.f32 v10, v27;
	v10 =	vld [tilespmem:s30+$0xFFFFFE30]  }
0xb3: {  	[tilespmem:s30+$0x10] =	vst v9;
	v5 =	vmul.f32 v5, v12;
	v9 =	vld [tilespmem:s30+$0xFFFFFEB0]  }
0xb4: {  	[tilespmem:s30+$0x90] =	vst v7;
	v7 =	vmul.f32 v11, v24;
	v11 =	vld [tilespmem:s30+$0xFFFFFF30]  }
0xb5: {  	[tilespmem:s30+$0x110] =	vst v5;
	v5 =	vmul.f32 v13, v8;
	v8 =	vld [tilespmem:s30+$0xFFFFFE40]  }
0xb6: {  	[tilespmem:s30+$0x20] =	vst v7;
	v6 =	vmul.f32 v6, v14;
	v7 =	vld [tilespmem:s30+$0xFFFFFEC0]  }
0xb7: {  	[tilespmem:s30+$0xA0] =	vst v5;
	v5 =	vmul.f32 v15, v10;
	v10 =	vld [tilespmem:s30+$0xFFFFFF40]  }
0xb8: {  	[tilespmem:s30+$0x120] =	vst v6;
	v6 =	vmul.f32 v16, v9;
	v9 =	vld [tilespmem:s30+$0xFFFFFE50]  }
0xb9: {  	[tilespmem:s30+$0x30] =	vst v5;
	v5 =	vmul.f32 v17, v11;
	v11 =	vld [tilespmem:s30+$0xFFFFFED0]  }
0xba: {  	[tilespmem:s30+$0xB0] =	vst v6;
	v6 =	vmul.f32 v18, v8;
	v12 =	vld [tilespmem:s30+$0xFFFFFF50]  }
.Ltmp4:
0xbb: {  	[tilespmem:s30+$0x130] =	vst v5;
	v7 =	vmul.f32 v19, v7;
	v5 =	vld [tilespmem:s30+$0xFFFFFE60];
	(pc) =	sbr.rel @p1 .LBB2_11-.Ltmp4, $4  }
0xbc: {  	[tilespmem:s30+$0x40] =	vst v6;
	v8 =	vmul.f32 v20, v10;
	v6 =	vld [tilespmem:s30+$0xFFFFFEE0]  }
0xbd: {  	[tilespmem:s30+$0xC0] =	vst v7;
	v9 =	vmul.f32 v21, v9;
	v7 =	vld [tilespmem:s30+$0xFFFFFF60]  }
0xbe: {  	[tilespmem:s30+$0x140] =	vst v8;
	v11 =	vmul.f32 v22, v11;
	v8 =	vld [tilespmem:s30+$0xFFFFFE70]  }
0xbf: {  	s0 =	sadd.s32 $0x80, s0;
	[tilespmem:s30+$0x50] =	vst v9;
	v10 =	vmul.f32 v23, v12;
	v9 =	vld [tilespmem:s30+$0xFFFFFEF0]  }
0xc0: {  	[tilespmem:s30+$0xD0] =	vst v11;
	v4 =	vmul.f32 v4, v5  }
0xc1: {  	[tilespmem:s30+$0x150] =	vst v10;
	v3 =	vmul.f32 v3, v6  }
0xc2: {  	s0 =	sshll.u32 s28, $0xF;
	[tilespmem:s30+$0x60] =	vst v4;
	v2 =	vmul.f32 v2, v7  }
0xc3: {  	s0 =	sadd.s32 s12, s0;
	[tilespmem:s30+$0xE0] =	vst v3;
	v1 =	vmul.f32 v1, v8  }
0xc4: {  	s0 =	sshrl.u32 s0, $0x3;
	[tilespmem:s30+$0x160] =	vst v2;
	v0 =	vmul.f32 v0, v9  }
0xc5: {  	s31 =	simm.s32 $0x40;
	s0 =	sadd.s32 s3, s0;
	[tilespmem:s30+$0x70] =	vst v1  }
0xc6: {  	s4 =	simm.s32 $0x3200;
	s6 =	sadd.s32 $0x0, s0;
	[tilespmem:s30+$0xF0] =	vst v0;
	s30 =	simm.s32 $0x2E00  }
.LBB2_13:
0xc7: {  	[hbm4b:s6+s16] =	stream.strided.scatter [tilespmem:s30], [sflag:$0x3], $0x0, s17, s16, $0x38;
	[tilespmem:$0x12C00] =	vst v63  }
0xc8: {  	s6 =	smov.u32 s31;
	s30 =	smov.u32 s4;
	p1 =	seq.s32 s31, $0x7C0  }
.Ltmp5:
0xc9: {  	s31 =	sadd.s32 $0x40, s31;
	(pc) =	sbr.rel @!p1 .LBB2_13-.Ltmp5, $2  }
0xca: {  	_ =	sdelay $0x2  }
0xcb: {  	s4 =	sadd.s32 $0x400, s4;
	s6 =	sadd.s32 s6, s0  }
0xcc: {  	[hbm4b:s6+s16] =	stream.strided.scatter [tilespmem:s30], [sflag:$0x3], $0x0, s17, s16, $0x38;
	[tilespmem:$0x12C00] =	vst v63  }
0xcd: {  	s30 =	simm.s32 $0x2E00  }
0xce: {  	s31 =	simm.s32 $0x40;
	s6 =	sadd.s32 $0x0, s0;
	s4 =	simm.s32 $0x3200  }
.LBB2_15:
0xcf: {  	[hbm4b:s6+s5] =	stream.linear.scatter [tilespmem:s30], [sflag:$0x3], $0x180, $0x38;
	[tilespmem:$0x12C00] =	vst v63  }
0xd0: {  	s6 =	smov.u32 s31;
	s30 =	smov.u32 s4;
	p1 =	sne.s32 s31, $0x7C0  }
.Ltmp6:
0xd1: {  	s31 =	sadd.s32 $0x40, s31;
	(pc) =	sbr.rel @p1 .LBB2_15-.Ltmp6, $2  }
0xd2: {  	_ =	sdelay $0x2  }
0xd3: {  	s4 =	sadd.s32 $0x400, s4;
	s6 =	sadd.s32 s6, s0  }
0xd4: {  	p1 =	seq.s32 s28, $0x7  }
.Ltmp7:
0xd5: {  	_ = 	snop;
	(pc) =	sbr.rel @p1 .LBB2_22-.Ltmp7, $2  }
0xd6: {  	_ =	sdelay $0x2  }
0xd7: {  	[hbm4b:s6+s5] =	stream.linear.scatter [tilespmem:s30], [sflag:$0x3], $0x180, $0x38;
	[tilespmem:$0x12C00] =	vst v63  }
0xd8: {  	s0 =	sshll.u32 s28, $0xD  }
0xd9: {  	s0 =	sadd.s32 s0, s13  }
0xda: {  	s6 =	simm.s32 $0x0;
	s4 =	sshrl.u32 s0, $0x3;
	s0 =	sshrl.u32 s0, $0x1  }
0xdb: {  	s30 =	simm.s32 $0x2C00;
	s4 =	sadd.s32 s2, s4;
	s0 =	sadd.s32 s1, s0  }
0xdc: {  	[tilespmem:s15], [sflag:$0x1] =	stream.linear.gather [hbm4b:s4+s6], $0x1000, $0x38;
	[tilespmem:$0x12C00] =	vst v63  }
0xdd: {  	s31 =	simm.s32 $0x40;
	s6 =	sadd.s32 $0x0, s0;
	s4 =	simm.s32 $0x3000  }
.LBB2_18:
0xde: {  	[tilespmem:s30], [sflag:$0x1] =	stream.strided.gather [hbm4b:s6+s16], $0x0, s17, s16, $0x38;
	[tilespmem:$0x12C00] =	vst v63  }
0xdf: {  	s6 =	smov.u32 s31;
	s30 =	smov.u32 s4;
	p1 =	seq.s32 s31, $0x7C0  }
.Ltmp8:
0xe0: {  	s31 =	sadd.s32 $0x40, s31;
	(pc) =	sbr.rel @!p1 .LBB2_18-.Ltmp8, $2  }
0xe1: {  	_ =	sdelay $0x2  }
0xe2: {  	s4 =	sadd.s32 $0x400, s4;
	s6 =	sadd.s32 s6, s0  }
0xe3: {  	[tilespmem:s30], [sflag:$0x1] =	stream.strided.gather [hbm4b:s6+s16], $0x0, s17, s16, $0x38;
	[tilespmem:$0x12C00] =	vst v63  }
0xe4: {  	s30 =	simm.s32 $0x2C00  }
0xe5: {  	s31 =	simm.s32 $0x40;
	s6 =	sadd.s32 $0x0, s0;
	s4 =	simm.s32 $0x3000  }
.LBB2_20:
0xe6: {  	[tilespmem:s30], [sflag:$0x1] =	stream.linear.gather [hbm4b:s6+s5], $0x180, $0x38;
	[tilespmem:$0x12C00] =	vst v63  }
0xe7: {  	s6 =	smov.u32 s31;
	s30 =	smov.u32 s4;
	p1 =	sne.s32 s31, $0x7C0  }
.Ltmp9:
0xe8: {  	s31 =	sadd.s32 $0x40, s31;
	(pc) =	sbr.rel @p1 .LBB2_20-.Ltmp9, $2  }
0xe9: {  	_ =	sdelay $0x2  }
0xea: {  	s4 =	sadd.s32 $0x400, s4;
	s6 =	sadd.s32 s6, s0  }
.Ltmp10:
0xeb: {  	(pc) =	sbr.rel @p0 .LBB2_23-.Ltmp10, $2  }
0xec: {  	_ =	sdelay $0x2  }
0xed: {  	[tilespmem:s30], [sflag:$0x1] =	stream.linear.gather [hbm4b:s6+s5], $0x180, $0x38;
	[tilespmem:$0x12C00] =	vst v63  }
.LBB2_22:
0xee: {  	_ =	swait.ge [sflag:s23], $0x3000  }
0xef: {  	[sflag:s23] =	ssyncset.done $0x0  }
0xf0: {  	[sflag:s23] =	ssyncadd.s32 $0xFFFFD000  }
.LBB2_23:
0xf1: {  	_ =	swait.ge [sflag:s24], $0x1000  }
0xf2: {  	[sflag:s24] =	ssyncset.done $0x0  }
0xf3: {  	[sflag:s24] =	ssyncadd.s32 $0xFFFFF000  }
0xf4: {  	_ =	swait.ge [sflag:s24], $0x3000  }
0xf5: {  	[sflag:s24] =	ssyncset.done $0x0  }
0xf6: {  	s0 =	simm.s32 $0x1C40;
	[sflag:s24] =	ssyncadd.s32 $0xFFFFD000  }
0xf7: {  	v0 =	vld [tilespmem:s0+$0x30]  }
0xf8: {  	v1 =	vld [tilespmem:s0+$0xFFFFFFD0]  }
0xf9: {  	v2 =	vld [tilespmem:s0+$0xFFFFFFE0]  }
0xfa: {  	v3 =	vld [tilespmem:s0+$0xFFFFFFF0]  }
0xfb: {  	v4 =	vld [tilespmem:s0+$0x0]  }
0xfc: {  	v5 =	vld [tilespmem:s0+$0x10]  }
0xfd: {  	v6 =	vld [tilespmem:s0+$0x20]  }
0xfe: {  	s30 =	simm.s32 $0xAE00;
	v7 =	vld [tilespmem:s0+$0xFFFFFFC0]  }
0xff: {  	v9 =	vld [tilespmem:s30+$0xFFFFFF70]  }
0x100: {  	v27 =	vld [tilespmem:s30+$0xFFFFFF00]  }
0x101: {  	v28 =	vld [tilespmem:s30+$0xFFFFFE10]  }
0x102: {  	v61 =	vld [tilespmem:s30+$0xFFFFFF10]  }
0x103: {  	v8 =	vld.idx.msk [tilespmem:v0+s19+$0x0], $0xffff  }
0x104: {  	v10 =	vld.idx.msk [tilespmem:v1+s5+$0x0], $0xffff  }
0x105: {  	v11 =	vld.idx.msk [tilespmem:v1+s18+$0x0], $0xffff  }
0x106: {  	v12 =	vld.idx.msk [tilespmem:v1+s19+$0x0], $0xffff  }
0x107: {  	v13 =	vld.idx.msk [tilespmem:v2+s5+$0x0], $0xffff  }
0x108: {  	v14 =	vld.idx.msk [tilespmem:v2+s18+$0x0], $0xffff  }
0x109: {  	v15 =	vld.idx.msk [tilespmem:v7+s5+$0x0], $0xffff  }
0x10a: {  	v16 =	vld.idx.msk [tilespmem:v7+s18+$0x0], $0xffff  }
0x10b: {  	v17 =	vld.idx.msk [tilespmem:v2+s19+$0x0], $0xffff  }
0x10c: {  	v18 =	vld.idx.msk [tilespmem:v3+s5+$0x0], $0xffff  }
0x10d: {  	v19 =	vld.idx.msk [tilespmem:v3+s18+$0x0], $0xffff  }
0x10e: {  	v20 =	vld.idx.msk [tilespmem:v3+s19+$0x0], $0xffff  }
0x10f: {  	v21 =	vld.idx.msk [tilespmem:v4+s5+$0x0], $0xffff  }
0x110: {  	v22 =	vld.idx.msk [tilespmem:v4+s18+$0x0], $0xffff  }
0x111: {  	v23 =	vld.idx.msk [tilespmem:v4+s19+$0x0], $0xffff  }
0x112: {  	v24 =	vld.idx.msk [tilespmem:v5+s5+$0x0], $0xffff  }
0x113: {  	v25 =	vld.idx.msk [tilespmem:v5+s18+$0x0], $0xffff  }
0x114: {  	v26 =	vld.idx.msk [tilespmem:v5+s19+$0x0], $0xffff  }
0x115: {  	v4 =	vld.idx.msk [tilespmem:v6+s5+$0x0], $0xffff  }
0x116: {  	v3 =	vld.idx.msk [tilespmem:v6+s18+$0x0], $0xffff  }
0x117: {  	v2 =	vld.idx.msk [tilespmem:v6+s19+$0x0], $0xffff  }
0x118: {  	v5 =	vld [tilespmem:s30+$0xFFFFFE00]  }
0x119: {  	v6 =	vld [tilespmem:s30+$0xFFFFFE80]  }
0x11a: {  	v7 =	vld.idx.msk [tilespmem:v7+s19+$0x0], $0xffff  }
0x11b: {  	v1 =	vld.idx.msk [tilespmem:v0+s5+$0x0], $0xffff  }
0x11c: {  	v8 =	vmul.f32 v8, v9;
	v9 =	vld [tilespmem:s30+$0xFFFFFE90]  }
0x11d: {  	v0 =	vld.idx.msk [tilespmem:v0+s18+$0x0], $0xffff;
	v5 =	vmul.f32 v15, v5  }
0x11e: {  	v6 =	vmul.f32 v16, v6;
	[tilespmem:s30+$0x170] =	vst v8;
	v8 =	vld [tilespmem:s30+$0xFFFFFE20]  }
0x11f: {  	[tilespmem:s30+$0x0] =	vst v5;
	v5 =	vmul.f32 v7, v27;
	v7 =	vld [tilespmem:s30+$0xFFFFFEA0]  }
0x120: {  	[tilespmem:s30+$0x80] =	vst v6;
	v6 =	vmul.f32 v10, v28;
	v10 =	vld [tilespmem:s30+$0xFFFFFF20]  }
0x121: {  	[tilespmem:s30+$0x100] =	vst v5;
	v5 =	vmul.f32 v11, v9;
	v9 =	vld [tilespmem:s30+$0xFFFFFE30]  }
0x122: {  	[tilespmem:s30+$0x10] =	vst v6;
	v6 =	vmul.f32 v12, v61;
	v11 =	vld [tilespmem:s30+$0xFFFFFEB0]  }
0x123: {  	[tilespmem:s30+$0x90] =	vst v5;
	v5 =	vmul.f32 v13, v8;
	v8 =	vld [tilespmem:s30+$0xFFFFFF30]  }
0x124: {  	[tilespmem:s30+$0x110] =	vst v6;
	v6 =	vmul.f32 v14, v7;
	v7 =	vld [tilespmem:s30+$0xFFFFFE40]  }
0x125: {  	[tilespmem:s30+$0x20] =	vst v5;
	v5 =	vmul.f32 v17, v10;
	v10 =	vld [tilespmem:s30+$0xFFFFFEC0]  }
0x126: {  	[tilespmem:s30+$0xA0] =	vst v6;
	v6 =	vmul.f32 v18, v9;
	v9 =	vld [tilespmem:s30+$0xFFFFFF40]  }
0x127: {  	[tilespmem:s30+$0x120] =	vst v5;
	v5 =	vmul.f32 v19, v11;
	v11 =	vld [tilespmem:s30+$0xFFFFFE50]  }
0x128: {  	v62 =	vld [tilespmem:s30+$0xFFFFFED0];
	[tilespmem:s30+$0x30] =	vst v6;
	v6 =	vmul.f32 v20, v8  }
0x129: {  	v63 =	vld [tilespmem:s30+$0xFFFFFF50];
	v7 =	vmul.f32 v21, v7;
	[tilespmem:s30+$0xB0] =	vst v5  }
0x12a: {  	v5 =	vld [tilespmem:s30+$0xFFFFFE60];
	[tilespmem:s30+$0x130] =	vst v6;
	v8 =	vmul.f32 v22, v10  }
0x12b: {  	[tilespmem:s30+$0x40] =	vst v7;
	v6 =	vld [tilespmem:s30+$0xFFFFFEE0];
	v9 =	vmul.f32 v23, v9  }
0x12c: {  	v7 =	vld [tilespmem:s30+$0xFFFFFF60];
	[tilespmem:s30+$0xC0] =	vst v8;
	v10 =	vmul.f32 v24, v11  }
0x12d: {  	v8 =	vld [tilespmem:s30+$0xFFFFFE70];
	v11 =	vmul.f32 v25, v62;
	[tilespmem:s30+$0x140] =	vst v9  }
0x12e: {  	s31 =	simm.s32 $0x0;
	s0 =	simm.s32 $0x1CC0;
	v9 =	vld [tilespmem:s30+$0xFFFFFEF0];
	[tilespmem:s30+$0x50] =	vst v10;
	v10 =	vmul.f32 v26, v63  }
.LBB2_24:
0x12f: {  	v12 =	vld [tilespmem:s0+$0x30];
	s31 =	sadd.s32 $0x8, s31;
	[tilespmem:s30+$0xD0] =	vst v11;
	v4 =	vmul.f32 v4, v5  }
0x130: {  	v5 =	vld [tilespmem:s0+$0xFFFFFFD0];
	p0 =	slt.u32 s31, $0xF8;
	[tilespmem:s30+$0x150] =	vst v10;
	v3 =	vmul.f32 v3, v6  }
0x131: {  	v6 =	vld [tilespmem:s0+$0xFFFFFFE0];
	[tilespmem:s30+$0x60] =	vst v4;
	v2 =	vmul.f32 v2, v7  }
0x132: {  	v4 =	vld [tilespmem:s0+$0xFFFFFFF0];
	[tilespmem:s30+$0xE0] =	vst v3;
	v1 =	vmul.f32 v1, v8  }
0x133: {  	v3 =	vld [tilespmem:s0+$0x0];
	[tilespmem:s30+$0x160] =	vst v2;
	v0 =	vmul.f32 v0, v9  }
0x134: {  	v2 =	vld [tilespmem:s0+$0x10];
	[tilespmem:s30+$0x70] =	vst v1  }
0x135: {  	v7 =	vld [tilespmem:s0+$0x20];
	[tilespmem:s30+$0xF0] =	vst v0  }
0x136: {  	v8 =	vld [tilespmem:s0+$0xFFFFFFC0]  }
0x137: {  	s30 =	sadd.s32 $0x400, s30;
	v0 =	vld.idx.msk [tilespmem:v12+s19+$0x0], $0xffff  }
0x138: {  	v1 =	vld [tilespmem:s30+$0xFFFFFF70]  }
0x139: {  	v9 =	vld.idx.msk [tilespmem:v5+s5+$0x0], $0xffff  }
0x13a: {  	v10 =	vld.idx.msk [tilespmem:v5+s18+$0x0], $0xffff  }
0x13b: {  	v5 =	vld.idx.msk [tilespmem:v5+s19+$0x0], $0xffff  }
0x13c: {  	v11 =	vld.idx.msk [tilespmem:v6+s5+$0x0], $0xffff  }
0x13d: {  	v13 =	vld.idx.msk [tilespmem:v6+s18+$0x0], $0xffff;
	v14 =	vmul.f32 v0, v1  }
0x13e: {  	v1 =	vld.idx.msk [tilespmem:v12+s5+$0x0], $0xffff  }
0x13f: {  	v0 =	vld.idx.msk [tilespmem:v12+s18+$0x0], $0xffff;
	[tilespmem:s30+$0x170] =	vst v14  }
0x140: {  	v12 =	vld.idx.msk [tilespmem:v8+s5+$0x0], $0xffff  }
0x141: {  	v14 =	vld.idx.msk [tilespmem:v8+s18+$0x0], $0xffff  }
0x142: {  	v8 =	vld.idx.msk [tilespmem:v8+s19+$0x0], $0xffff  }
0x143: {  	v6 =	vld.idx.msk [tilespmem:v6+s19+$0x0], $0xffff  }
0x144: {  	v15 =	vld.idx.msk [tilespmem:v4+s5+$0x0], $0xffff  }
0x145: {  	v16 =	vld.idx.msk [tilespmem:v4+s18+$0x0], $0xffff  }
0x146: {  	v17 =	vld.idx.msk [tilespmem:v4+s19+$0x0], $0xffff  }
0x147: {  	v18 =	vld.idx.msk [tilespmem:v3+s5+$0x0], $0xffff  }
0x148: {  	v19 =	vld.idx.msk [tilespmem:v3+s18+$0x0], $0xffff  }
0x149: {  	v20 =	vld.idx.msk [tilespmem:v3+s19+$0x0], $0xffff  }
0x14a: {  	v21 =	vld.idx.msk [tilespmem:v2+s5+$0x0], $0xffff  }
0x14b: {  	v22 =	vld.idx.msk [tilespmem:v2+s18+$0x0], $0xffff  }
0x14c: {  	v23 =	vld.idx.msk [tilespmem:v2+s19+$0x0], $0xffff  }
0x14d: {  	v4 =	vld.idx.msk [tilespmem:v7+s5+$0x0], $0xffff  }
0x14e: {  	v3 =	vld.idx.msk [tilespmem:v7+s18+$0x0], $0xffff  }
0x14f: {  	v2 =	vld.idx.msk [tilespmem:v7+s19+$0x0], $0xffff  }
0x150: {  	v7 =	vld [tilespmem:s30+$0xFFFFFE00]  }
0x151: {  	v24 =	vld [tilespmem:s30+$0xFFFFFE80]  }
0x152: {  	v25 =	vld [tilespmem:s30+$0xFFFFFF00]  }
0x153: {  	v26 =	vld [tilespmem:s30+$0xFFFFFE10]  }
0x154: {  	v27 =	vld [tilespmem:s30+$0xFFFFFE90]  }
0x155: {  	v7 =	vmul.f32 v12, v7;
	v12 =	vld [tilespmem:s30+$0xFFFFFF10]  }
0x156: {  	v14 =	vmul.f32 v14, v24;
	v24 =	vld [tilespmem:s30+$0xFFFFFE20]  }
0x157: {  	[tilespmem:s30+$0x0] =	vst v7;
	v7 =	vmul.f32 v8, v25;
	v8 =	vld [tilespmem:s30+$0xFFFFFEA0]  }
0x158: {  	[tilespmem:s30+$0x80] =	vst v14;
	v9 =	vmul.f32 v9, v26;
	v14 =	vld [tilespmem:s30+$0xFFFFFF20]  }
0x159: {  	[tilespmem:s30+$0x100] =	vst v7;
	v7 =	vmul.f32 v10, v27;
	v10 =	vld [tilespmem:s30+$0xFFFFFE30]  }
0x15a: {  	[tilespmem:s30+$0x10] =	vst v9;
	v5 =	vmul.f32 v5, v12;
	v9 =	vld [tilespmem:s30+$0xFFFFFEB0]  }
0x15b: {  	[tilespmem:s30+$0x90] =	vst v7;
	v7 =	vmul.f32 v11, v24;
	v11 =	vld [tilespmem:s30+$0xFFFFFF30]  }
0x15c: {  	[tilespmem:s30+$0x110] =	vst v5;
	v5 =	vmul.f32 v13, v8;
	v8 =	vld [tilespmem:s30+$0xFFFFFE40]  }
0x15d: {  	[tilespmem:s30+$0x20] =	vst v7;
	v6 =	vmul.f32 v6, v14;
	v7 =	vld [tilespmem:s30+$0xFFFFFEC0]  }
0x15e: {  	[tilespmem:s30+$0xA0] =	vst v5;
	v5 =	vmul.f32 v15, v10;
	v10 =	vld [tilespmem:s30+$0xFFFFFF40]  }
0x15f: {  	[tilespmem:s30+$0x120] =	vst v6;
	v6 =	vmul.f32 v16, v9;
	v9 =	vld [tilespmem:s30+$0xFFFFFE50]  }
0x160: {  	[tilespmem:s30+$0x30] =	vst v5;
	v5 =	vmul.f32 v17, v11;
	v11 =	vld [tilespmem:s30+$0xFFFFFED0]  }
0x161: {  	[tilespmem:s30+$0xB0] =	vst v6;
	v6 =	vmul.f32 v18, v8;
	v12 =	vld [tilespmem:s30+$0xFFFFFF50]  }
.Ltmp11:
0x162: {  	[tilespmem:s30+$0x130] =	vst v5;
	v7 =	vmul.f32 v19, v7;
	v5 =	vld [tilespmem:s30+$0xFFFFFE60];
	(pc) =	sbr.rel @p0 .LBB2_24-.Ltmp11, $4  }
0x163: {  	[tilespmem:s30+$0x40] =	vst v6;
	v8 =	vmul.f32 v20, v10;
	v6 =	vld [tilespmem:s30+$0xFFFFFEE0]  }
0x164: {  	[tilespmem:s30+$0xC0] =	vst v7;
	v9 =	vmul.f32 v21, v9;
	v7 =	vld [tilespmem:s30+$0xFFFFFF60]  }
0x165: {  	[tilespmem:s30+$0x140] =	vst v8;
	v11 =	vmul.f32 v22, v11;
	v8 =	vld [tilespmem:s30+$0xFFFFFE70]  }
0x166: {  	s0 =	sadd.s32 $0x80, s0;
	[tilespmem:s30+$0x50] =	vst v9;
	v10 =	vmul.f32 v23, v12;
	v9 =	vld [tilespmem:s30+$0xFFFFFEF0]  }
0x167: {  	[tilespmem:s30+$0xD0] =	vst v11;
	v4 =	vmul.f32 v4, v5  }
0x168: {  	[tilespmem:s30+$0x150] =	vst v10;
	v3 =	vmul.f32 v3, v6  }
0x169: {  	s0 =	sshll.u32 s29, $0xE;
	[tilespmem:s30+$0x60] =	vst v4;
	v2 =	vmul.f32 v2, v7  }
0x16a: {  	s0 =	sadd.s32 s12, s0;
	[tilespmem:s30+$0xE0] =	vst v3;
	v1 =	vmul.f32 v1, v8  }
0x16b: {  	s0 =	sshrl.u32 s0, $0x3;
	[tilespmem:s30+$0x160] =	vst v2;
	v0 =	vmul.f32 v0, v9  }
0x16c: {  	s29 =	simm.s32 $0xAE00;
	s0 =	sadd.s32 s3, s0;
	[tilespmem:s30+$0x70] =	vst v1  }
0x16d: {  	s4 =	simm.s32 $0xB200;
	s6 =	sadd.s32 $0x0, s0;
	[tilespmem:s30+$0xF0] =	vst v0;
	s30 =	simm.s32 $0x40  }
.LBB2_26:
0x16e: {  	[hbm4b:s6+s16] =	stream.strided.scatter [tilespmem:s29], [sflag:$0x4], $0x0, s17, s16, $0x38;
	[tilespmem:$0x12C00] =	vst v63  }
0x16f: {  	s6 =	smov.u32 s30;
	s29 =	smov.u32 s4;
	p0 =	seq.s32 s30, $0x7C0  }
.Ltmp12:
0x170: {  	s30 =	sadd.s32 $0x40, s30;
	(pc) =	sbr.rel @!p0 .LBB2_26-.Ltmp12, $2  }
0x171: {  	_ =	sdelay $0x2  }
0x172: {  	s4 =	sadd.s32 $0x400, s4;
	s6 =	sadd.s32 s6, s0  }
0x173: {  	[hbm4b:s6+s16] =	stream.strided.scatter [tilespmem:s29], [sflag:$0x4], $0x0, s17, s16, $0x38;
	[tilespmem:$0x12C00] =	vst v63  }
0x174: {  	s29 =	simm.s32 $0xAE00  }
0x175: {  	s30 =	simm.s32 $0x40;
	s6 =	sadd.s32 $0x0, s0;
	s4 =	simm.s32 $0xB200  }
.LBB2_28:
0x176: {  	[hbm4b:s6+s5] =	stream.linear.scatter [tilespmem:s29], [sflag:$0x4], $0x180, $0x38;
	[tilespmem:$0x12C00] =	vst v63  }
0x177: {  	s6 =	smov.u32 s30;
	s29 =	smov.u32 s4;
	p0 =	sne.s32 s30, $0x7C0  }
.Ltmp13:
0x178: {  	s30 =	sadd.s32 $0x40, s30;
	(pc) =	sbr.rel @p0 .LBB2_28-.Ltmp13, $2  }
0x179: {  	_ =	sdelay $0x2  }
0x17a: {  	s4 =	sadd.s32 $0x400, s4;
	s6 =	sadd.s32 s6, s0  }
0x17b: {  	s28 =	sadd.s32 $0x1, s28  }
0x17c: {  	p0 =	sne.s32 s28, $0x8  }
.Ltmp14:
0x17d: {  	_ = 	snop;
	(pc) =	sbr.rel @p0 .LBB2_6-.Ltmp14, $2  }
0x17e: {  	_ =	sdelay $0x2  }
0x17f: {  	[hbm4b:s6+s5] =	stream.linear.scatter [tilespmem:s29], [sflag:$0x4], $0x180, $0x38;
	[tilespmem:$0x12C00] =	vst v63  }
0x180: {  	s25 =	sadd.s32 $0x1, s25  }
0x181: {  	_ =	swait.ge [sflag:s20], $0x3000;
	p0 =	sne.s32 s25, s14  }
.Ltmp15:
0x182: {  	[sflag:s20] =	ssyncset.done $0x0;
	(pc) =	sbr.rel @p0 .LBB2_1-.Ltmp15, $4  }
0x183: {  	[sflag:s20] =	ssyncadd.s32 $0xFFFFD000  }
0x184: {  	_ =	swait.ge [sflag:s23], $0x3000  }
0x185: {  	[sflag:s23] =	ssyncset.done $0x0  }
0x186: {  	[sflag:s23] =	ssyncadd.s32 $0xFFFFD000  }
0x187: {  	_ =	sfence.sel $0x180000  }
0x188: {  	[bflag:$0x0] =	sbarrier.arrive $0xFFFF  }
0x189: {  	_ =	strace $0x90000047  }
0x18a: {  	s0 =	stileid.u32;
	[bflag:$0x2] =	sbarrier.arrive $0xFFFF  }
0x18b: {  	p0 =	sne.s32 s0, $0x0;
	s0 =	rddreg [dreg:$0x4]  }
0x18c: {  	s0 =	sadd.s32 @!p0 $0x100000, s0  }
0x18d: {  	[sflag:s0] =	ssyncadd.tile.s32 @!p0 $0x1;
	_ =	shalt  }
.Lfunc_end2:
_tile_overlayer_lowered:
.L_overlay_start_2:
0x18e: {  	(tag) =	ssettag $0x2  }
0x18f: {  	s0 =	rddreg [dreg:$0x0];
	s2 =	stileid.u32  }
0x190: {  	s1 =	rddreg [dreg:$0x1];
	p0 =	sne.s32 s2, $0x0  }
0x191: {  	s3 =	rddreg [dreg:$0x2];
	[bflag:$0x3] =	sbarrier.arrive $0xFFFF;
	s2 =	simm.s32 @!p0 $0x1C05  }
0x192: {  	[timem:s3], [sflag:s2] =	dma.local @!p0 [hbm:s0], s1  }
0x193: {  	s0 =	simm.s32 @!p0 $0x5  }
0x194: {  	_ =	swait.ge @!p0 [sflag:s0], s1  }
0x195: {  	s1 =	ssub.s32 @!p0 $0x0, s1;
	[sflag:s0] =	ssyncset.done @!p0 $0x0  }
0x196: {  	[sflag:s0] =	ssyncadd.s32 @!p0 s1  }
0x197: {  	[bflag:$0x3] =	sbarrier.arrive $0xFFFF  }
0x198: {  	_ =	shalt  }

</sc_bundles>
